<compile_context>
chip_gen: v7x
topology: tpu7x:2x2x1
jax: 0.10.2.dev20260603
libtpu: 0.0.44.dev20260713+nightly
codegen_flags: <defaults>
</compile_context>

<pallas_src>
import jax
import jax.numpy as jnp
from jax import lax
from jax.experimental import pallas as pl
from jax.experimental.pallas import tpu as pltpu
from jax.experimental.pallas import tpu_sc as plsc

N_NODES = 10000
N_EDGES = 320000
D = 128
NC = 2
NS = 16
NW = NC * NS
CH = 128
EPW = 10240
K = EPW // CH
E_PAD = NW * EPW
NP = 10112
ROWS_PT = NP // NS

EB = 2500
HG = N_EDGES // EB

_mesh = plsc.VectorSubcoreMesh(core_axis_name="c", subcore_axis_name="s")


NH = 2
K2 = K // NH


def _seg_sum_body(table, srcs, dsts, zrows, sums_out,
                  acc, src_sl, dst_sl, rows0, rows1, sem0, sem1):
    cid = lax.axis_index("c")
    sid = lax.axis_index("s")
    wid = sid * NC + cid
    r0 = sid * ROWS_PT

    pltpu.sync_copy(zrows.at[pl.ds(r0, ROWS_PT)], acc.at[pl.ds(r0, ROWS_PT)])
    plsc.subcore_barrier()

    @pl.loop(0, NH)
    def _(h):
        n = wid * NH + h
        pltpu.sync_copy(srcs.at[n], src_sl)
        pltpu.sync_copy(dsts.at[n], dst_sl)
        pltpu.async_copy(table.at[src_sl.at[0]], rows0, sem0)

        @pl.loop(0, K2, step=2)
        def _(j):
            pltpu.async_copy(table.at[src_sl.at[j + 1]], rows1, sem1)
            pltpu.make_async_copy(table.at[src_sl.at[j]], rows0, sem0).wait()
            pltpu.sync_copy(rows0, acc.at[dst_sl.at[j]], add=True)

            @pl.when(j + 2 < K2)
            def _():
                pltpu.async_copy(table.at[src_sl.at[j + 2]], rows0, sem0)

            pltpu.make_async_copy(table.at[src_sl.at[j + 1]], rows1,
                                  sem1).wait()
            pltpu.sync_copy(rows1, acc.at[dst_sl.at[j + 1]], add=True)

    plsc.subcore_barrier()
    pltpu.sync_copy(acc.at[pl.ds(r0, ROWS_PT)],
                    sums_out.at[cid, pl.ds(r0, ROWS_PT)])


_seg_sum = pl.kernel(
    _seg_sum_body,
    out_type=[jax.ShapeDtypeStruct((NC, NP, D), jnp.float32)],
    mesh=_mesh,
    scratch_types=[
        pltpu.VMEM_SHARED((NP, D), jnp.float32),
        pltpu.VMEM((K2, CH), jnp.int32),
        pltpu.VMEM((K2, CH), jnp.int32),
        pltpu.VMEM((CH, D), jnp.float32),
        pltpu.VMEM((CH, D), jnp.float32),
        pltpu.SemaphoreType.DMA,
        pltpu.SemaphoreType.DMA,
    ],
)


def _hist_body(dst_ref, out_ref):
    row = dst_ref[0]
    a = row // 128
    b = row - a * 128
    ii = lax.broadcasted_iota(jnp.int32, (128, EB), 0)
    a_oh = (a == ii).astype(jnp.bfloat16)
    b_oh = (b == ii).astype(jnp.bfloat16)
    part = lax.dot_general(a_oh, b_oh, (((1,), (1,)), ((), ())),
                           preferred_element_type=jnp.float32)

    @pl.when(pl.program_id(0) == 0)
    def _():
        out_ref[...] = jnp.zeros_like(out_ref)

    out_ref[...] += part


_hist = pl.pallas_call(
    _hist_body,
    grid=(HG,),
    in_specs=[pl.BlockSpec((1, 1, EB), lambda i: (i, 0, 0))],
    out_specs=pl.BlockSpec((128, 128), lambda i: (0, 0)),
    out_shape=jax.ShapeDtypeStruct((128, 128), jnp.float32),
)


def _tc1_body(sums, cnt, x, wl1, wr1, b1, wl2, wr2, b2, hw_out, hr_out):
    c = jnp.maximum(cnt[...], 1.0)
    mean = (sums[0, :N_NODES, :] + sums[1, :N_NODES, :]) / c
    h = mean @ wl1[...] + x[...] @ wr1[...] + b1[...][None, :]
    h = jnp.maximum(h, 0.0)
    hw_out[...] = h @ wl2[...]
    hr_out[...] = h @ wr2[...] + b2[...][None, :]


def _tc2_body(sums, cnt, hr, out):
    c = jnp.maximum(cnt[...], 1.0)
    out[...] = (sums[0, :N_NODES, :] + sums[1, :N_NODES, :]) / c + hr[...]


_tc1 = pl.pallas_call(
    _tc1_body,
    out_shape=(
        jax.ShapeDtypeStruct((N_NODES, D), jnp.float32),
        jax.ShapeDtypeStruct((N_NODES, D), jnp.float32),
    ),
)

_tc2 = pl.pallas_call(
    _tc2_body,
    out_shape=jax.ShapeDtypeStruct((N_NODES, D), jnp.float32),
)


def kernel(x, edge_index, Wl1, Wr1, b1, Wl2, Wr2, b2):
    src = edge_index[0].astype(jnp.int32)
    dst = edge_index[1].astype(jnp.int32)
    pad = E_PAD - N_EDGES
    ar = jnp.arange(pad, dtype=jnp.int32)
    srcs = jnp.concatenate(
        [src, ar % N_NODES]).reshape(NW * NH, K2, CH)
    dsts = jnp.concatenate(
        [dst, N_NODES + ar % (NP - N_NODES)]).reshape(NW * NH, K2, CH)

    zrows = jnp.zeros((NP, D), jnp.float32)

    cnt_grid = _hist(dst.reshape(HG, 1, EB))
    cnt = cnt_grid.reshape(-1)[:N_NODES, None]

    (sums1,) = _seg_sum(x, srcs, dsts, zrows)
    hw, hr = _tc1(sums1, cnt, x, Wl1, Wr1, b1, Wl2, Wr2, b2)
    (sums2,) = _seg_sum(hw, srcs, dsts, zrows)
    return _tc2(sums2, cnt, hr)

# --- scband reference (transcript-rebuilt; emitter-appended) ---
"""Pipeline reference for scband-graph-sage-80582176407797 (READ-ONLY COPY).

The authoritative reference and input builder live on the scoring server;
editing this copy changes nothing except your own understanding.
"""

import jax, jax.numpy as jnp
import numpy as np

N_NODES = 10000
N_EDGES = 320000


def setup_inputs(seed: int = 0) -> dict:
    key = jax.random.key(seed)
    k = jax.random.split(key, 9)
    x = jax.random.normal(k[0], (N_NODES, 128), dtype=jnp.float32)
    edge_index = jax.random.randint(k[1], (2, N_EDGES), 0, N_NODES, dtype=jnp.int64)
    # SAGEConv layer 1: in=128 -> hidden=256 (lin_l on aggregated neighbors, lin_r on root)
    Wl1 = jax.random.normal(k[2], (128, 256), dtype=jnp.float32) * (1.0 / np.sqrt(128))
    Wr1 = jax.random.normal(k[3], (128, 256), dtype=jnp.float32) * (1.0 / np.sqrt(128))
    b1 = jax.random.normal(k[4], (256,), dtype=jnp.float32) * 0.01
    # SAGEConv layer 2: hidden=256 -> out=128
    Wl2 = jax.random.normal(k[5], (256, 128), dtype=jnp.float32) * (1.0 / np.sqrt(256))
    Wr2 = jax.random.normal(k[6], (256, 128), dtype=jnp.float32) * (1.0 / np.sqrt(256))
    b2 = jax.random.normal(k[7], (128,), dtype=jnp.float32) * 0.01
    return {"x": x, "edge_index": edge_index, "Wl1": Wl1, "Wr1": Wr1, "b1": b1,
            "Wl2": Wl2, "Wr2": Wr2, "b2": b2}


def _sage_conv(x, edge_index, Wl, Wr, b):
    # PyG SAGEConv with mean aggregation:
    #   out = lin_l(mean_{j in N(i)} x_j) + lin_r(x_i)
    src = edge_index[0]
    dst = edge_index[1]
    n = x.shape[0]
    msgs = jnp.take(x, src, axis=0)
    summed = jax.ops.segment_sum(msgs, dst, num_segments=n)
    counts = jax.ops.segment_sum(jnp.ones((edge_index.shape[1],), dtype=x.dtype), dst, num_segments=n)
    mean = summed / jnp.clip(counts, 1.0, None)[:, None]
    return mean @ Wl + x @ Wr + b


def reference(x, edge_index, Wl1, Wr1, b1, Wl2, Wr2, b2):
    # layer 1 + ReLU (dropout inactive in eval / not applied in forward)
    h = _sage_conv(x, edge_index, Wl1, Wr1, b1)
    h = jax.nn.relu(h)
    # final layer, no activation
    out = _sage_conv(h, edge_index, Wl2, Wr2, b2)
    return out

if __name__ == "__main__":
    import jax
    _d = setup_inputs()
    print(jax.jit(kernel)(*tuple(_d.values())))

</pallas_src>

<mosaic_0001>
#map = affine_map<(d0, d1) -> (0, 0)>
#map1 = affine_map<(d0, d1) -> (0, 0, 0)>
module attributes {stable_mosaic.version = 14 : i64} {
  func.func @_seg_sum_body(%arg0: i32, %arg1: i32, %arg2: memref<10000x128xf32, #tpu.memory_space<hbm>>, %arg3: memref<64x40x128xi32, #tpu.memory_space<hbm>>, %arg4: memref<64x40x128xi32, #tpu.memory_space<hbm>>, %arg5: memref<10112x128xf32, #tpu.memory_space<hbm>>, %arg6: memref<2x10112x128xf32, #tpu.memory_space<hbm>>, %arg7: memref<10112x128xf32, #tpu.memory_space<vmem_shared>>, %arg8: memref<40x128xi32, #tpu.memory_space<vmem>>, %arg9: memref<40x128xi32, #tpu.memory_space<vmem>>, %arg10: memref<128x128xf32, #tpu.memory_space<vmem>>, %arg11: memref<128x128xf32, #tpu.memory_space<vmem>>, %arg12: memref<!tpu.dma_semaphore, #tpu.memory_space<semaphore_mem>>, %arg13: memref<!tpu.dma_semaphore, #tpu.memory_space<semaphore_mem>>) attributes {dimension_semantics = [#tpu.dimension_semantics<core_parallel>, #tpu.dimension_semantics<subcore_parallel>], iteration_bounds = array<i64: 2, 16>, scalar_prefetch = 0 : i64, scratch_operands = 7 : i64, tpu.core_type = #tpu.core_type<sc_vector_subcore>, window_params = [{transform_indices = #map}, {transform_indices = #map1}, {transform_indices = #map1}, {transform_indices = #map}, {transform_indices = #map1}]} {
    %mul3A = arith.constant 2 : i32
    %mul3A_0 = arith.muli %arg1, %mul3A : i32
    %add3A = arith.addi %mul3A_0, %arg0 : i32
    %mul3A_1 = arith.constant 632 : i32
    %mul3A_2 = arith.muli %arg1, %mul3A_1 : i32
    "tpu.region"() ({
      %run_scoped3A = tpu.sem_alloc : memref<!tpu.dma_semaphore, #tpu.memory_space<semaphore_mem>>
      %dma_start3A = arith.constant 0 : i32
      %dma_start3A_8 = tpu.memref_slice %arg7[%mul3A_2, %dma_start3A] : memref<10112x128xf32, #tpu.memory_space<vmem_shared>> -> memref<632x128xf32, #tpu.memory_space<vmem_shared>>
      %dma_start3A_9 = arith.constant 0 : i32
      %dma_start3A_10 = tpu.memref_slice %arg5[%mul3A_2, %dma_start3A_9] : memref<10112x128xf32, #tpu.memory_space<hbm>> -> memref<632x128xf32, #tpu.memory_space<hbm>>
      tpu.enqueue_dma source(%dma_start3A_10 : memref<632x128xf32, #tpu.memory_space<hbm>>) target(%dma_start3A_8 : memref<632x128xf32, #tpu.memory_space<vmem_shared>>) target_semaphore(%run_scoped3A : memref<!tpu.dma_semaphore, #tpu.memory_space<semaphore_mem>>)
      %dma_wait3A = arith.constant 0 : i32
      %dma_wait3A_11 = tpu.memref_slice %arg7[%mul3A_2, %dma_wait3A] : memref<10112x128xf32, #tpu.memory_space<vmem_shared>> -> memref<632x128xf32, #tpu.memory_space<vmem_shared>>
      %dma_wait3A_12 = arith.constant 0 : i32
      %dma_wait3A_13 = tpu.memref_slice %arg5[%mul3A_2, %dma_wait3A_12] : memref<10112x128xf32, #tpu.memory_space<hbm>> -> memref<632x128xf32, #tpu.memory_space<hbm>>
      tpu.wait_dma2 semaphore(%run_scoped3A : memref<!tpu.dma_semaphore, #tpu.memory_space<semaphore_mem>>) src(%dma_wait3A_13 : memref<632x128xf32, #tpu.memory_space<hbm>>) dst(%dma_wait3A_11 : memref<632x128xf32, #tpu.memory_space<vmem_shared>>)
      tpu.yield
    }) : () -> ()
    %barrier3A = arith.constant 0 : index
    tpu.barrier barrier_id(%barrier3A)
    %scan3A = arith.constant 0 : i32
    %scan3A_3 = arith.constant 2 : i32
    %scan3A_4 = arith.addi %scan3A, %scan3A_3 : i32
    %scan3A_5 = arith.constant 1 : i32
    scf.for %scan3A_8 = %scan3A to %scan3A_4 step %scan3A_5  : i32 {
      %mul3A_9 = arith.constant 1 : i32
      %mul3A_10 = arith.muli %scan3A_8, %mul3A_9 : i32
      %add3A_11 = arith.constant 0 : i32
      %add3A_12 = arith.addi %add3A_11, %mul3A_10 : i32
      %mul3A_13 = arith.constant 2 : i32
      %mul3A_14 = arith.muli %add3A, %mul3A_13 : i32
      %add3A_15 = arith.addi %mul3A_14, %add3A_12 : i32
      "tpu.region"() ({
        %run_scoped3A = tpu.sem_alloc : memref<!tpu.dma_semaphore, #tpu.memory_space<semaphore_mem>>
        %dma_start3A_27 = arith.constant 0 : i32
        %dma_start3A_28 = arith.constant 0 : i32
        %dma_start3A_29 = tpu.memref_slice %arg3[%add3A_15, %dma_start3A_27, %dma_start3A_28] : memref<64x40x128xi32, #tpu.memory_space<hbm>> -> memref<1x40x128xi32, #tpu.memory_space<hbm>>
        %dma_start3A_30 = tpu.memref_squeeze %dma_start3A_29 : memref<1x40x128xi32, #tpu.memory_space<hbm>> -> memref<40x128xi32, #tpu.memory_space<hbm>>
        %dma_start3A_31 = arith.constant 0 : i32
        %dma_start3A_32 = arith.constant 0 : i32
        %dma_start3A_33 = tpu.memref_slice %arg3[%add3A_15, %dma_start3A_31, %dma_start3A_32] : memref<64x40x128xi32, #tpu.memory_space<hbm>> -> memref<1x40x128xi32, #tpu.memory_space<hbm>>
        %dma_start3A_34 = tpu.memref_squeeze %dma_start3A_33 : memref<1x40x128xi32, #tpu.memory_space<hbm>> -> memref<40x128xi32, #tpu.memory_space<hbm>>
        tpu.enqueue_dma source(%dma_start3A_34 : memref<40x128xi32, #tpu.memory_space<hbm>>) target(%arg8 : memref<40x128xi32, #tpu.memory_space<vmem>>) target_semaphore(%run_scoped3A : memref<!tpu.dma_semaphore, #tpu.memory_space<semaphore_mem>>)
        %dma_wait3A = arith.constant 0 : i32
        %dma_wait3A_35 = arith.constant 0 : i32
        %dma_wait3A_36 = tpu.memref_slice %arg3[%add3A_15, %dma_wait3A, %dma_wait3A_35] : memref<64x40x128xi32, #tpu.memory_space<hbm>> -> memref<1x40x128xi32, #tpu.memory_space<hbm>>
        %dma_wait3A_37 = tpu.memref_squeeze %dma_wait3A_36 : memref<1x40x128xi32, #tpu.memory_space<hbm>> -> memref<40x128xi32, #tpu.memory_space<hbm>>
        %dma_wait3A_38 = arith.constant 0 : i32
        %dma_wait3A_39 = arith.constant 0 : i32
        %dma_wait3A_40 = tpu.memref_slice %arg3[%add3A_15, %dma_wait3A_38, %dma_wait3A_39] : memref<64x40x128xi32, #tpu.memory_space<hbm>> -> memref<1x40x128xi32, #tpu.memory_space<hbm>>
        %dma_wait3A_41 = tpu.memref_squeeze %dma_wait3A_40 : memref<1x40x128xi32, #tpu.memory_space<hbm>> -> memref<40x128xi32, #tpu.memory_space<hbm>>
        tpu.wait_dma2 semaphore(%run_scoped3A : memref<!tpu.dma_semaphore, #tpu.memory_space<semaphore_mem>>) src(%dma_wait3A_41 : memref<40x128xi32, #tpu.memory_space<hbm>>) dst(%arg8 : memref<40x128xi32, #tpu.memory_space<vmem>>)
        tpu.yield
      }) : () -> ()
      "tpu.region"() ({
        %run_scoped3A = tpu.sem_alloc : memref<!tpu.dma_semaphore, #tpu.memory_space<semaphore_mem>>
        %dma_start3A_27 = arith.constant 0 : i32
        %dma_start3A_28 = arith.constant 0 : i32
        %dma_start3A_29 = tpu.memref_slice %arg4[%add3A_15, %dma_start3A_27, %dma_start3A_28] : memref<64x40x128xi32, #tpu.memory_space<hbm>> -> memref<1x40x128xi32, #tpu.memory_space<hbm>>
        %dma_start3A_30 = tpu.memref_squeeze %dma_start3A_29 : memref<1x40x128xi32, #tpu.memory_space<hbm>> -> memref<40x128xi32, #tpu.memory_space<hbm>>
        %dma_start3A_31 = arith.constant 0 : i32
        %dma_start3A_32 = arith.constant 0 : i32
        %dma_start3A_33 = tpu.memref_slice %arg4[%add3A_15, %dma_start3A_31, %dma_start3A_32] : memref<64x40x128xi32, #tpu.memory_space<hbm>> -> memref<1x40x128xi32, #tpu.memory_space<hbm>>
        %dma_start3A_34 = tpu.memref_squeeze %dma_start3A_33 : memref<1x40x128xi32, #tpu.memory_space<hbm>> -> memref<40x128xi32, #tpu.memory_space<hbm>>
        tpu.enqueue_dma source(%dma_start3A_34 : memref<40x128xi32, #tpu.memory_space<hbm>>) target(%arg9 : memref<40x128xi32, #tpu.memory_space<vmem>>) target_semaphore(%run_scoped3A : memref<!tpu.dma_semaphore, #tpu.memory_space<semaphore_mem>>)
        %dma_wait3A = arith.constant 0 : i32
        %dma_wait3A_35 = arith.constant 0 : i32
        %dma_wait3A_36 = tpu.memref_slice %arg4[%add3A_15, %dma_wait3A, %dma_wait3A_35] : memref<64x40x128xi32, #tpu.memory_space<hbm>> -> memref<1x40x128xi32, #tpu.memory_space<hbm>>
        %dma_wait3A_37 = tpu.memref_squeeze %dma_wait3A_36 : memref<1x40x128xi32, #tpu.memory_space<hbm>> -> memref<40x128xi32, #tpu.memory_space<hbm>>
        %dma_wait3A_38 = arith.constant 0 : i32
        %dma_wait3A_39 = arith.constant 0 : i32
        %dma_wait3A_40 = tpu.memref_slice %arg4[%add3A_15, %dma_wait3A_38, %dma_wait3A_39] : memref<64x40x128xi32, #tpu.memory_space<hbm>> -> memref<1x40x128xi32, #tpu.memory_space<hbm>>
        %dma_wait3A_41 = tpu.memref_squeeze %dma_wait3A_40 : memref<1x40x128xi32, #tpu.memory_space<hbm>> -> memref<40x128xi32, #tpu.memory_space<hbm>>
        tpu.wait_dma2 semaphore(%run_scoped3A : memref<!tpu.dma_semaphore, #tpu.memory_space<semaphore_mem>>) src(%dma_wait3A_41 : memref<40x128xi32, #tpu.memory_space<hbm>>) dst(%arg9 : memref<40x128xi32, #tpu.memory_space<vmem>>)
        tpu.yield
      }) : () -> ()
      %dma_start3A = arith.constant 0 : i32
      %dma_start3A_16 = arith.constant 0 : i32
      %dma_start3A_17 = tpu.memref_slice %arg8[%dma_start3A, %dma_start3A_16] : memref<40x128xi32, #tpu.memory_space<vmem>> -> memref<1x128xi32, #tpu.memory_space<vmem>>
      %dma_start3A_18 = tpu.memref_squeeze %dma_start3A_17 : memref<1x128xi32, #tpu.memory_space<vmem>> -> memref<128xi32, #tpu.memory_space<vmem>>
      %dma_start3A_19 = arith.constant 0 : i32
      %dma_start3A_20 = arith.constant 0 : i32
      %dma_start3A_21 = tpu.memref_slice %arg2[%dma_start3A_19, %dma_start3A_20] : memref<10000x128xf32, #tpu.memory_space<hbm>> -> memref<10000x128xf32, #tpu.memory_space<hbm>>
      tpu.enqueue_indirect_dma source(%dma_start3A_21 : memref<10000x128xf32, #tpu.memory_space<hbm>>) target(%arg10 : memref<128x128xf32, #tpu.memory_space<vmem>>) offsets(%dma_start3A_18 : memref<128xi32, #tpu.memory_space<vmem>>) semaphore(%arg12 : memref<!tpu.dma_semaphore, #tpu.memory_space<semaphore_mem>>)
      %scan3A_22 = arith.constant 0 : i32
      %scan3A_23 = arith.constant 20 : i32
      %scan3A_24 = arith.addi %scan3A_22, %scan3A_23 : i32
      %scan3A_25 = arith.constant 1 : i32
      scf.for %scan3A_27 = %scan3A_22 to %scan3A_24 step %scan3A_25  : i32 {
        %mul3A_28 = arith.constant 2 : i32
        %mul3A_29 = arith.muli %scan3A_27, %mul3A_28 : i32
        %add3A_30 = arith.constant 0 : i32
        %add3A_31 = arith.addi %add3A_30, %mul3A_29 : i32
        %add3A_32 = arith.constant 1 : i32
        %add3A_33 = arith.addi %add3A_31, %add3A_32 : i32
        %dma_start3A_34 = arith.constant 0 : i32
        %dma_start3A_35 = tpu.memref_slice %arg8[%add3A_33, %dma_start3A_34] : memref<40x128xi32, #tpu.memory_space<vmem>> -> memref<1x128xi32, #tpu.memory_space<vmem>>
        %dma_start3A_36 = tpu.memref_squeeze %dma_start3A_35 : memref<1x128xi32, #tpu.memory_space<vmem>> -> memref<128xi32, #tpu.memory_space<vmem>>
        %dma_start3A_37 = arith.constant 0 : i32
        %dma_start3A_38 = arith.constant 0 : i32
        %dma_start3A_39 = tpu.memref_slice %arg2[%dma_start3A_37, %dma_start3A_38] : memref<10000x128xf32, #tpu.memory_space<hbm>> -> memref<10000x128xf32, #tpu.memory_space<hbm>>
        tpu.enqueue_indirect_dma source(%dma_start3A_39 : memref<10000x128xf32, #tpu.memory_space<hbm>>) target(%arg11 : memref<128x128xf32, #tpu.memory_space<vmem>>) offsets(%dma_start3A_36 : memref<128xi32, #tpu.memory_space<vmem>>) semaphore(%arg13 : memref<!tpu.dma_semaphore, #tpu.memory_space<semaphore_mem>>)
        %dma_wait3A = arith.constant 0 : i32
        %dma_wait3A_40 = tpu.memref_slice %arg8[%add3A_31, %dma_wait3A] : memref<40x128xi32, #tpu.memory_space<vmem>> -> memref<1x128xi32, #tpu.memory_space<vmem>>
        %dma_wait3A_41 = tpu.memref_squeeze %dma_wait3A_40 : memref<1x128xi32, #tpu.memory_space<vmem>> -> memref<128xi32, #tpu.memory_space<vmem>>
        %dma_wait3A_42 = arith.constant 0 : i32
        %dma_wait3A_43 = arith.constant 0 : i32
        %dma_wait3A_44 = tpu.memref_slice %arg2[%dma_wait3A_42, %dma_wait3A_43] : memref<10000x128xf32, #tpu.memory_space<hbm>> -> memref<10000x128xf32, #tpu.memory_space<hbm>>
        tpu.wait_indirect_dma semaphore(%arg12 : memref<!tpu.dma_semaphore, #tpu.memory_space<semaphore_mem>>) src(%dma_wait3A_44 : memref<10000x128xf32, #tpu.memory_space<hbm>>) dst(%arg10 : memref<128x128xf32, #tpu.memory_space<vmem>>)
        "tpu.region"() ({
          %run_scoped3A = tpu.sem_alloc : memref<!tpu.dma_semaphore, #tpu.memory_space<semaphore_mem>>
          %dma_start3A_59 = arith.constant 0 : i32
          %dma_start3A_60 = tpu.memref_slice %arg9[%add3A_31, %dma_start3A_59] : memref<40x128xi32, #tpu.memory_space<vmem>> -> memref<1x128xi32, #tpu.memory_space<vmem>>
          %dma_start3A_61 = tpu.memref_squeeze %dma_start3A_60 : memref<1x128xi32, #tpu.memory_space<vmem>> -> memref<128xi32, #tpu.memory_space<vmem>>
          %dma_start3A_62 = arith.constant 0 : i32
          %dma_start3A_63 = arith.constant 0 : i32
          %dma_start3A_64 = tpu.memref_slice %arg7[%dma_start3A_62, %dma_start3A_63] : memref<10112x128xf32, #tpu.memory_space<vmem_shared>> -> memref<10112x128xf32, #tpu.memory_space<vmem_shared>>
          tpu.enqueue_indirect_dma source(%arg10 : memref<128x128xf32, #tpu.memory_space<vmem>>) target(%dma_start3A_64 : memref<10112x128xf32, #tpu.memory_space<vmem_shared>>) offsets(%dma_start3A_61 : memref<128xi32, #tpu.memory_space<vmem>>) semaphore(%run_scoped3A : memref<!tpu.dma_semaphore, #tpu.memory_space<semaphore_mem>>) {add = true}
          %dma_wait3A_65 = arith.constant 0 : i32
          %dma_wait3A_66 = tpu.memref_slice %arg9[%add3A_31, %dma_wait3A_65] : memref<40x128xi32, #tpu.memory_space<vmem>> -> memref<1x128xi32, #tpu.memory_space<vmem>>
          %dma_wait3A_67 = tpu.memref_squeeze %dma_wait3A_66 : memref<1x128xi32, #tpu.memory_space<vmem>> -> memref<128xi32, #tpu.memory_space<vmem>>
          %dma_wait3A_68 = arith.constant 0 : i32
          %dma_wait3A_69 = arith.constant 0 : i32
          %dma_wait3A_70 = tpu.memref_slice %arg7[%dma_wait3A_68, %dma_wait3A_69] : memref<10112x128xf32, #tpu.memory_space<vmem_shared>> -> memref<10112x128xf32, #tpu.memory_space<vmem_shared>>
          tpu.wait_indirect_dma semaphore(%run_scoped3A : memref<!tpu.dma_semaphore, #tpu.memory_space<semaphore_mem>>) src(%arg10 : memref<128x128xf32, #tpu.memory_space<vmem>>) dst(%dma_wait3A_70 : memref<10112x128xf32, #tpu.memory_space<vmem_shared>>)
          tpu.yield
        }) : () -> ()
        %add3A_45 = arith.constant 2 : i32
        %add3A_46 = arith.addi %add3A_31, %add3A_45 : i32
        %lt3A = arith.constant 40 : i32
        %lt3A_47 = arith.cmpi slt, %add3A_46, %lt3A : i32
        %convert_element_type3A = arith.extui %lt3A_47 : i1 to i32
        %cond3A = arith.constant 0 : i32
        %cond3A_48 = arith.cmpi ne, %convert_element_type3A, %cond3A : i32
        scf.if %cond3A_48 {
          %add3A_59 = arith.constant 2 : i32
          %add3A_60 = arith.addi %add3A_31, %add3A_59 : i32
          %dma_start3A_61 = arith.constant 0 : i32
          %dma_start3A_62 = tpu.memref_slice %arg8[%add3A_60, %dma_start3A_61] : memref<40x128xi32, #tpu.memory_space<vmem>> -> memref<1x128xi32, #tpu.memory_space<vmem>>
          %dma_start3A_63 = tpu.memref_squeeze %dma_start3A_62 : memref<1x128xi32, #tpu.memory_space<vmem>> -> memref<128xi32, #tpu.memory_space<vmem>>
          %dma_start3A_64 = arith.constant 0 : i32
          %dma_start3A_65 = arith.constant 0 : i32
          %dma_start3A_66 = tpu.memref_slice %arg2[%dma_start3A_64, %dma_start3A_65] : memref<10000x128xf32, #tpu.memory_space<hbm>> -> memref<10000x128xf32, #tpu.memory_space<hbm>>
          tpu.enqueue_indirect_dma source(%dma_start3A_66 : memref<10000x128xf32, #tpu.memory_space<hbm>>) target(%arg10 : memref<128x128xf32, #tpu.memory_space<vmem>>) offsets(%dma_start3A_63 : memref<128xi32, #tpu.memory_space<vmem>>) semaphore(%arg12 : memref<!tpu.dma_semaphore, #tpu.memory_space<semaphore_mem>>)
        } else {
        }
        %add3A_49 = arith.constant 1 : i32
        %add3A_50 = arith.addi %add3A_31, %add3A_49 : i32
        %dma_wait3A_51 = arith.constant 0 : i32
        %dma_wait3A_52 = tpu.memref_slice %arg8[%add3A_50, %dma_wait3A_51] : memref<40x128xi32, #tpu.memory_space<vmem>> -> memref<1x128xi32, #tpu.memory_space<vmem>>
        %dma_wait3A_53 = tpu.memref_squeeze %dma_wait3A_52 : memref<1x128xi32, #tpu.memory_space<vmem>> -> memref<128xi32, #tpu.memory_space<vmem>>
        %dma_wait3A_54 = arith.constant 0 : i32
        %dma_wait3A_55 = arith.constant 0 : i32
        %dma_wait3A_56 = tpu.memref_slice %arg2[%dma_wait3A_54, %dma_wait3A_55] : memref<10000x128xf32, #tpu.memory_space<hbm>> -> memref<10000x128xf32, #tpu.memory_space<hbm>>
        tpu.wait_indirect_dma semaphore(%arg13 : memref<!tpu.dma_semaphore, #tpu.memory_space<semaphore_mem>>) src(%dma_wait3A_56 : memref<10000x128xf32, #tpu.memory_space<hbm>>) dst(%arg11 : memref<128x128xf32, #tpu.memory_space<vmem>>)
        %add3A_57 = arith.constant 1 : i32
        %add3A_58 = arith.addi %add3A_31, %add3A_57 : i32
        "tpu.region"() ({
          %run_scoped3A = tpu.sem_alloc : memref<!tpu.dma_semaphore, #tpu.memory_space<semaphore_mem>>
          %dma_start3A_59 = arith.constant 0 : i32
          %dma_start3A_60 = tpu.memref_slice %arg9[%add3A_58, %dma_start3A_59] : memref<40x128xi32, #tpu.memory_space<vmem>> -> memref<1x128xi32, #tpu.memory_space<vmem>>
          %dma_start3A_61 = tpu.memref_squeeze %dma_start3A_60 : memref<1x128xi32, #tpu.memory_space<vmem>> -> memref<128xi32, #tpu.memory_space<vmem>>
          %dma_start3A_62 = arith.constant 0 : i32
          %dma_start3A_63 = arith.constant 0 : i32
          %dma_start3A_64 = tpu.memref_slice %arg7[%dma_start3A_62, %dma_start3A_63] : memref<10112x128xf32, #tpu.memory_space<vmem_shared>> -> memref<10112x128xf32, #tpu.memory_space<vmem_shared>>
          tpu.enqueue_indirect_dma source(%arg11 : memref<128x128xf32, #tpu.memory_space<vmem>>) target(%dma_start3A_64 : memref<10112x128xf32, #tpu.memory_space<vmem_shared>>) offsets(%dma_start3A_61 : memref<128xi32, #tpu.memory_space<vmem>>) semaphore(%run_scoped3A : memref<!tpu.dma_semaphore, #tpu.memory_space<semaphore_mem>>) {add = true}
          %dma_wait3A_65 = arith.constant 0 : i32
          %dma_wait3A_66 = tpu.memref_slice %arg9[%add3A_58, %dma_wait3A_65] : memref<40x128xi32, #tpu.memory_space<vmem>> -> memref<1x128xi32, #tpu.memory_space<vmem>>
          %dma_wait3A_67 = tpu.memref_squeeze %dma_wait3A_66 : memref<1x128xi32, #tpu.memory_space<vmem>> -> memref<128xi32, #tpu.memory_space<vmem>>
          %dma_wait3A_68 = arith.constant 0 : i32
          %dma_wait3A_69 = arith.constant 0 : i32
          %dma_wait3A_70 = tpu.memref_slice %arg7[%dma_wait3A_68, %dma_wait3A_69] : memref<10112x128xf32, #tpu.memory_space<vmem_shared>> -> memref<10112x128xf32, #tpu.memory_space<vmem_shared>>
          tpu.wait_indirect_dma semaphore(%run_scoped3A : memref<!tpu.dma_semaphore, #tpu.memory_space<semaphore_mem>>) src(%arg11 : memref<128x128xf32, #tpu.memory_space<vmem>>) dst(%dma_wait3A_70 : memref<10112x128xf32, #tpu.memory_space<vmem_shared>>)
          tpu.yield
        }) : () -> ()
      }
      %scan3A_26 = arith.constant 20 : i32
    }
    %scan3A_6 = arith.constant 2 : i32
    %barrier3A_7 = arith.constant 0 : index
    tpu.barrier barrier_id(%barrier3A_7)
    "tpu.region"() ({
      %run_scoped3A = tpu.sem_alloc : memref<!tpu.dma_semaphore, #tpu.memory_space<semaphore_mem>>
      %dma_start3A = arith.constant 0 : i32
      %dma_start3A_8 = tpu.memref_slice %arg6[%arg0, %mul3A_2, %dma_start3A] : memref<2x10112x128xf32, #tpu.memory_space<hbm>> -> memref<1x632x128xf32, #tpu.memory_space<hbm>>
      %dma_start3A_9 = tpu.memref_squeeze %dma_start3A_8 : memref<1x632x128xf32, #tpu.memory_space<hbm>> -> memref<632x128xf32, #tpu.memory_space<hbm>>
      %dma_start3A_10 = arith.constant 0 : i32
      %dma_start3A_11 = tpu.memref_slice %arg7[%mul3A_2, %dma_start3A_10] : memref<10112x128xf32, #tpu.memory_space<vmem_shared>> -> memref<632x128xf32, #tpu.memory_space<vmem_shared>>
      tpu.enqueue_dma source(%dma_start3A_11 : memref<632x128xf32, #tpu.memory_space<vmem_shared>>) target(%dma_start3A_9 : memref<632x128xf32, #tpu.memory_space<hbm>>) target_semaphore(%run_scoped3A : memref<!tpu.dma_semaphore, #tpu.memory_space<semaphore_mem>>)
      %dma_wait3A = arith.constant 0 : i32
      %dma_wait3A_12 = tpu.memref_slice %arg6[%arg0, %mul3A_2, %dma_wait3A] : memref<2x10112x128xf32, #tpu.memory_space<hbm>> -> memref<1x632x128xf32, #tpu.memory_space<hbm>>
      %dma_wait3A_13 = tpu.memref_squeeze %dma_wait3A_12 : memref<1x632x128xf32, #tpu.memory_space<hbm>> -> memref<632x128xf32, #tpu.memory_space<hbm>>
      %dma_wait3A_14 = arith.constant 0 : i32
      %dma_wait3A_15 = tpu.memref_slice %arg7[%mul3A_2, %dma_wait3A_14] : memref<10112x128xf32, #tpu.memory_space<vmem_shared>> -> memref<632x128xf32, #tpu.memory_space<vmem_shared>>
      tpu.wait_dma2 semaphore(%run_scoped3A : memref<!tpu.dma_semaphore, #tpu.memory_space<semaphore_mem>>) src(%dma_wait3A_15 : memref<632x128xf32, #tpu.memory_space<vmem_shared>>) dst(%dma_wait3A_13 : memref<632x128xf32, #tpu.memory_space<hbm>>)
      tpu.yield
    }) : () -> ()
    return
  }
}

#map = affine_map<(d0, d1) -> (0, 0)>
#map1 = affine_map<(d0, d1) -> (0, 0, 0)>
module attributes {stable_mosaic.version = 14 : i64} {
  func.func @_seg_sum_body(%arg0: i32, %arg1: i32, %arg2: memref<10000x128xf32, #tpu.memory_space<hbm>>, %arg3: memref<64x40x128xi32, #tpu.memory_space<hbm>>, %arg4: memref<64x40x128xi32, #tpu.memory_space<hbm>>, %arg5: memref<10112x128xf32, #tpu.memory_space<hbm>>, %arg6: memref<2x10112x128xf32, #tpu.memory_space<hbm>>, %arg7: memref<10112x128xf32, #tpu.memory_space<vmem_shared>>, %arg8: memref<40x128xi32, #tpu.memory_space<vmem>>, %arg9: memref<40x128xi32, #tpu.memory_space<vmem>>, %arg10: memref<128x128xf32, #tpu.memory_space<vmem>>, %arg11: memref<128x128xf32, #tpu.memory_space<vmem>>, %arg12: memref<!tpu.dma_semaphore, #tpu.memory_space<semaphore_mem>>, %arg13: memref<!tpu.dma_semaphore, #tpu.memory_space<semaphore_mem>>) attributes {dimension_semantics = [#tpu.dimension_semantics<core_parallel>, #tpu.dimension_semantics<subcore_parallel>], iteration_bounds = array<i64: 2, 16>, scalar_prefetch = 0 : i64, scratch_operands = 7 : i64, tpu.core_type = #tpu.core_type<sc_vector_subcore>, window_params = [{transform_indices = #map}, {transform_indices = #map1}, {transform_indices = #map1}, {transform_indices = #map}, {transform_indices = #map1}]} {
    %mul3A = arith.constant 2 : i32
    %mul3A_0 = arith.muli %arg1, %mul3A : i32
    %add3A = arith.addi %mul3A_0, %arg0 : i32
    %mul3A_1 = arith.constant 632 : i32
    %mul3A_2 = arith.muli %arg1, %mul3A_1 : i32
    "tpu.region"() ({
      %run_scoped3A = tpu.sem_alloc : memref<!tpu.dma_semaphore, #tpu.memory_space<semaphore_mem>>
      %dma_start3A = arith.constant 0 : i32
      %dma_start3A_8 = tpu.memref_slice %arg7[%mul3A_2, %dma_start3A] : memref<10112x128xf32, #tpu.memory_space<vmem_shared>> -> memref<632x128xf32, #tpu.memory_space<vmem_shared>>
      %dma_start3A_9 = arith.constant 0 : i32
      %dma_start3A_10 = tpu.memref_slice %arg5[%mul3A_2, %dma_start3A_9] : memref<10112x128xf32, #tpu.memory_space<hbm>> -> memref<632x128xf32, #tpu.memory_space<hbm>>
      tpu.enqueue_dma source(%dma_start3A_10 : memref<632x128xf32, #tpu.memory_space<hbm>>) target(%dma_start3A_8 : memref<632x128xf32, #tpu.memory_space<vmem_shared>>) target_semaphore(%run_scoped3A : memref<!tpu.dma_semaphore, #tpu.memory_space<semaphore_mem>>)
      %dma_wait3A = arith.constant 0 : i32
      %dma_wait3A_11 = tpu.memref_slice %arg7[%mul3A_2, %dma_wait3A] : memref<10112x128xf32, #tpu.memory_space<vmem_shared>> -> memref<632x128xf32, #tpu.memory_space<vmem_shared>>
      %dma_wait3A_12 = arith.constant 0 : i32
      %dma_wait3A_13 = tpu.memref_slice %arg5[%mul3A_2, %dma_wait3A_12] : memref<10112x128xf32, #tpu.memory_space<hbm>> -> memref<632x128xf32, #tpu.memory_space<hbm>>
      tpu.wait_dma2 semaphore(%run_scoped3A : memref<!tpu.dma_semaphore, #tpu.memory_space<semaphore_mem>>) src(%dma_wait3A_13 : memref<632x128xf32, #tpu.memory_space<hbm>>) dst(%dma_wait3A_11 : memref<632x128xf32, #tpu.memory_space<vmem_shared>>)
      tpu.yield
    }) : () -> ()
    %barrier3A = arith.constant 0 : index
    tpu.barrier barrier_id(%barrier3A)
    %scan3A = arith.constant 0 : i32
    %scan3A_3 = arith.constant 2 : i32
    %scan3A_4 = arith.addi %scan3A, %scan3A_3 : i32
    %scan3A_5 = arith.constant 1 : i32
    scf.for %scan3A_8 = %scan3A to %scan3A_4 step %scan3A_5  : i32 {
      %mul3A_9 = arith.constant 1 : i32
      %mul3A_10 = arith.muli %scan3A_8, %mul3A_9 : i32
      %add3A_11 = arith.constant 0 : i32
      %add3A_12 = arith.addi %add3A_11, %mul3A_10 : i32
      %mul3A_13 = arith.constant 2 : i32
      %mul3A_14 = arith.muli %add3A, %mul3A_13 : i32
      %add3A_15 = arith.addi %mul3A_14, %add3A_12 : i32
      "tpu.region"() ({
        %run_scoped3A = tpu.sem_alloc : memref<!tpu.dma_semaphore, #tpu.memory_space<semaphore_mem>>
        %dma_start3A_27 = arith.constant 0 : i32
        %dma_start3A_28 = arith.constant 0 : i32
        %dma_start3A_29 = tpu.memref_slice %arg3[%add3A_15, %dma_start3A_27, %dma_start3A_28] : memref<64x40x128xi32, #tpu.memory_space<hbm>> -> memref<1x40x128xi32, #tpu.memory_space<hbm>>
        %dma_start3A_30 = tpu.memref_squeeze %dma_start3A_29 : memref<1x40x128xi32, #tpu.memory_space<hbm>> -> memref<40x128xi32, #tpu.memory_space<hbm>>
        %dma_start3A_31 = arith.constant 0 : i32
        %dma_start3A_32 = arith.constant 0 : i32
        %dma_start3A_33 = tpu.memref_slice %arg3[%add3A_15, %dma_start3A_31, %dma_start3A_32] : memref<64x40x128xi32, #tpu.memory_space<hbm>> -> memref<1x40x128xi32, #tpu.memory_space<hbm>>
        %dma_start3A_34 = tpu.memref_squeeze %dma_start3A_33 : memref<1x40x128xi32, #tpu.memory_space<hbm>> -> memref<40x128xi32, #tpu.memory_space<hbm>>
        tpu.enqueue_dma source(%dma_start3A_34 : memref<40x128xi32, #tpu.memory_space<hbm>>) target(%arg8 : memref<40x128xi32, #tpu.memory_space<vmem>>) target_semaphore(%run_scoped3A : memref<!tpu.dma_semaphore, #tpu.memory_space<semaphore_mem>>)
        %dma_wait3A = arith.constant 0 : i32
        %dma_wait3A_35 = arith.constant 0 : i32
        %dma_wait3A_36 = tpu.memref_slice %arg3[%add3A_15, %dma_wait3A, %dma_wait3A_35] : memref<64x40x128xi32, #tpu.memory_space<hbm>> -> memref<1x40x128xi32, #tpu.memory_space<hbm>>
        %dma_wait3A_37 = tpu.memref_squeeze %dma_wait3A_36 : memref<1x40x128xi32, #tpu.memory_space<hbm>> -> memref<40x128xi32, #tpu.memory_space<hbm>>
        %dma_wait3A_38 = arith.constant 0 : i32
        %dma_wait3A_39 = arith.constant 0 : i32
        %dma_wait3A_40 = tpu.memref_slice %arg3[%add3A_15, %dma_wait3A_38, %dma_wait3A_39] : memref<64x40x128xi32, #tpu.memory_space<hbm>> -> memref<1x40x128xi32, #tpu.memory_space<hbm>>
        %dma_wait3A_41 = tpu.memref_squeeze %dma_wait3A_40 : memref<1x40x128xi32, #tpu.memory_space<hbm>> -> memref<40x128xi32, #tpu.memory_space<hbm>>
        tpu.wait_dma2 semaphore(%run_scoped3A : memref<!tpu.dma_semaphore, #tpu.memory_space<semaphore_mem>>) src(%dma_wait3A_41 : memref<40x128xi32, #tpu.memory_space<hbm>>) dst(%arg8 : memref<40x128xi32, #tpu.memory_space<vmem>>)
        tpu.yield
      }) : () -> ()
      "tpu.region"() ({
        %run_scoped3A = tpu.sem_alloc : memref<!tpu.dma_semaphore, #tpu.memory_space<semaphore_mem>>
        %dma_start3A_27 = arith.constant 0 : i32
        %dma_start3A_28 = arith.constant 0 : i32
        %dma_start3A_29 = tpu.memref_slice %arg4[%add3A_15, %dma_start3A_27, %dma_start3A_28] : memref<64x40x128xi32, #tpu.memory_space<hbm>> -> memref<1x40x128xi32, #tpu.memory_space<hbm>>
        %dma_start3A_30 = tpu.memref_squeeze %dma_start3A_29 : memref<1x40x128xi32, #tpu.memory_space<hbm>> -> memref<40x128xi32, #tpu.memory_space<hbm>>
        %dma_start3A_31 = arith.constant 0 : i32
        %dma_start3A_32 = arith.constant 0 : i32
        %dma_start3A_33 = tpu.memref_slice %arg4[%add3A_15, %dma_start3A_31, %dma_start3A_32] : memref<64x40x128xi32, #tpu.memory_space<hbm>> -> memref<1x40x128xi32, #tpu.memory_space<hbm>>
        %dma_start3A_34 = tpu.memref_squeeze %dma_start3A_33 : memref<1x40x128xi32, #tpu.memory_space<hbm>> -> memref<40x128xi32, #tpu.memory_space<hbm>>
        tpu.enqueue_dma source(%dma_start3A_34 : memref<40x128xi32, #tpu.memory_space<hbm>>) target(%arg9 : memref<40x128xi32, #tpu.memory_space<vmem>>) target_semaphore(%run_scoped3A : memref<!tpu.dma_semaphore, #tpu.memory_space<semaphore_mem>>)
        %dma_wait3A = arith.constant 0 : i32
        %dma_wait3A_35 = arith.constant 0 : i32
        %dma_wait3A_36 = tpu.memref_slice %arg4[%add3A_15, %dma_wait3A, %dma_wait3A_35] : memref<64x40x128xi32, #tpu.memory_space<hbm>> -> memref<1x40x128xi32, #tpu.memory_space<hbm>>
        %dma_wait3A_37 = tpu.memref_squeeze %dma_wait3A_36 : memref<1x40x128xi32, #tpu.memory_space<hbm>> -> memref<40x128xi32, #tpu.memory_space<hbm>>
        %dma_wait3A_38 = arith.constant 0 : i32
        %dma_wait3A_39 = arith.constant 0 : i32
        %dma_wait3A_40 = tpu.memref_slice %arg4[%add3A_15, %dma_wait3A_38, %dma_wait3A_39] : memref<64x40x128xi32, #tpu.memory_space<hbm>> -> memref<1x40x128xi32, #tpu.memory_space<hbm>>
        %dma_wait3A_41 = tpu.memref_squeeze %dma_wait3A_40 : memref<1x40x128xi32, #tpu.memory_space<hbm>> -> memref<40x128xi32, #tpu.memory_space<hbm>>
        tpu.wait_dma2 semaphore(%run_scoped3A : memref<!tpu.dma_semaphore, #tpu.memory_space<semaphore_mem>>) src(%dma_wait3A_41 : memref<40x128xi32, #tpu.memory_space<hbm>>) dst(%arg9 : memref<40x128xi32, #tpu.memory_space<vmem>>)
        tpu.yield
      }) : () -> ()
      %dma_start3A = arith.constant 0 : i32
      %dma_start3A_16 = arith.constant 0 : i32
      %dma_start3A_17 = tpu.memref_slice %arg8[%dma_start3A, %dma_start3A_16] : memref<40x128xi32, #tpu.memory_space<vmem>> -> memref<1x128xi32, #tpu.memory_space<vmem>>
      %dma_start3A_18 = tpu.memref_squeeze %dma_start3A_17 : memref<1x128xi32, #tpu.memory_space<vmem>> -> memref<128xi32, #tpu.memory_space<vmem>>
      %dma_start3A_19 = arith.constant 0 : i32
      %dma_start3A_20 = arith.constant 0 : i32
      %dma_start3A_21 = tpu.memref_slice %arg2[%dma_start3A_19, %dma_start3A_20] : memref<10000x128xf32, #tpu.memory_space<hbm>> -> memref<10000x128xf32, #tpu.memory_space<hbm>>
      tpu.enqueue_indirect_dma source(%dma_start3A_21 : memref<10000x128xf32, #tpu.memory_space<hbm>>) target(%arg10 : memref<128x128xf32, #tpu.memory_space<vmem>>) offsets(%dma_start3A_18 : memref<128xi32, #tpu.memory_space<vmem>>) semaphore(%arg12 : memref<!tpu.dma_semaphore, #tpu.memory_space<semaphore_mem>>)
      %scan3A_22 = arith.constant 0 : i32
      %scan3A_23 = arith.constant 20 : i32
      %scan3A_24 = arith.addi %scan3A_22, %scan3A_23 : i32
      %scan3A_25 = arith.constant 1 : i32
      scf.for %scan3A_27 = %scan3A_22 to %scan3A_24 step %scan3A_25  : i32 {
        %mul3A_28 = arith.constant 2 : i32
        %mul3A_29 = arith.muli %scan3A_27, %mul3A_28 : i32
        %add3A_30 = arith.constant 0 : i32
        %add3A_31 = arith.addi %add3A_30, %mul3A_29 : i32
        %add3A_32 = arith.constant 1 : i32
        %add3A_33 = arith.addi %add3A_31, %add3A_32 : i32
        %dma_start3A_34 = arith.constant 0 : i32
        %dma_start3A_35 = tpu.memref_slice %arg8[%add3A_33, %dma_start3A_34] : memref<40x128xi32, #tpu.memory_space<vmem>> -> memref<1x128xi32, #tpu.memory_space<vmem>>
        %dma_start3A_36 = tpu.memref_squeeze %dma_start3A_35 : memref<1x128xi32, #tpu.memory_space<vmem>> -> memref<128xi32, #tpu.memory_space<vmem>>
        %dma_start3A_37 = arith.constant 0 : i32
        %dma_start3A_38 = arith.constant 0 : i32
        %dma_start3A_39 = tpu.memref_slice %arg2[%dma_start3A_37, %dma_start3A_38] : memref<10000x128xf32, #tpu.memory_space<hbm>> -> memref<10000x128xf32, #tpu.memory_space<hbm>>
        tpu.enqueue_indirect_dma source(%dma_start3A_39 : memref<10000x128xf32, #tpu.memory_space<hbm>>) target(%arg11 : memref<128x128xf32, #tpu.memory_space<vmem>>) offsets(%dma_start3A_36 : memref<128xi32, #tpu.memory_space<vmem>>) semaphore(%arg13 : memref<!tpu.dma_semaphore, #tpu.memory_space<semaphore_mem>>)
        %dma_wait3A = arith.constant 0 : i32
        %dma_wait3A_40 = tpu.memref_slice %arg8[%add3A_31, %dma_wait3A] : memref<40x128xi32, #tpu.memory_space<vmem>> -> memref<1x128xi32, #tpu.memory_space<vmem>>
        %dma_wait3A_41 = tpu.memref_squeeze %dma_wait3A_40 : memref<1x128xi32, #tpu.memory_space<vmem>> -> memref<128xi32, #tpu.memory_space<vmem>>
        %dma_wait3A_42 = arith.constant 0 : i32
        %dma_wait3A_43 = arith.constant 0 : i32
        %dma_wait3A_44 = tpu.memref_slice %arg2[%dma_wait3A_42, %dma_wait3A_43] : memref<10000x128xf32, #tpu.memory_space<hbm>> -> memref<10000x128xf32, #tpu.memory_space<hbm>>
        tpu.wait_indirect_dma semaphore(%arg12 : memref<!tpu.dma_semaphore, #tpu.memory_space<semaphore_mem>>) src(%dma_wait3A_44 : memref<10000x128xf32, #tpu.memory_space<hbm>>) dst(%arg10 : memref<128x128xf32, #tpu.memory_space<vmem>>)
        "tpu.region"() ({
          %run_scoped3A = tpu.sem_alloc : memref<!tpu.dma_semaphore, #tpu.memory_space<semaphore_mem>>
          %dma_start3A_59 = arith.constant 0 : i32
          %dma_start3A_60 = tpu.memref_slice %arg9[%add3A_31, %dma_start3A_59] : memref<40x128xi32, #tpu.memory_space<vmem>> -> memref<1x128xi32, #tpu.memory_space<vmem>>
          %dma_start3A_61 = tpu.memref_squeeze %dma_start3A_60 : memref<1x128xi32, #tpu.memory_space<vmem>> -> memref<128xi32, #tpu.memory_space<vmem>>
          %dma_start3A_62 = arith.constant 0 : i32
          %dma_start3A_63 = arith.constant 0 : i32
          %dma_start3A_64 = tpu.memref_slice %arg7[%dma_start3A_62, %dma_start3A_63] : memref<10112x128xf32, #tpu.memory_space<vmem_shared>> -> memref<10112x128xf32, #tpu.memory_space<vmem_shared>>
          tpu.enqueue_indirect_dma source(%arg10 : memref<128x128xf32, #tpu.memory_space<vmem>>) target(%dma_start3A_64 : memref<10112x128xf32, #tpu.memory_space<vmem_shared>>) offsets(%dma_start3A_61 : memref<128xi32, #tpu.memory_space<vmem>>) semaphore(%run_scoped3A : memref<!tpu.dma_semaphore, #tpu.memory_space<semaphore_mem>>) {add = true}
          %dma_wait3A_65 = arith.constant 0 : i32
          %dma_wait3A_66 = tpu.memref_slice %arg9[%add3A_31, %dma_wait3A_65] : memref<40x128xi32, #tpu.memory_space<vmem>> -> memref<1x128xi32, #tpu.memory_space<vmem>>
          %dma_wait3A_67 = tpu.memref_squeeze %dma_wait3A_66 : memref<1x128xi32, #tpu.memory_space<vmem>> -> memref<128xi32, #tpu.memory_space<vmem>>
          %dma_wait3A_68 = arith.constant 0 : i32
          %dma_wait3A_69 = arith.constant 0 : i32
          %dma_wait3A_70 = tpu.memref_slice %arg7[%dma_wait3A_68, %dma_wait3A_69] : memref<10112x128xf32, #tpu.memory_space<vmem_shared>> -> memref<10112x128xf32, #tpu.memory_space<vmem_shared>>
          tpu.wait_indirect_dma semaphore(%run_scoped3A : memref<!tpu.dma_semaphore, #tpu.memory_space<semaphore_mem>>) src(%arg10 : memref<128x128xf32, #tpu.memory_space<vmem>>) dst(%dma_wait3A_70 : memref<10112x128xf32, #tpu.memory_space<vmem_shared>>)
          tpu.yield
        }) : () -> ()
        %add3A_45 = arith.constant 2 : i32
        %add3A_46 = arith.addi %add3A_31, %add3A_45 : i32
        %lt3A = arith.constant 40 : i32
        %lt3A_47 = arith.cmpi slt, %add3A_46, %lt3A : i32
        %convert_element_type3A = arith.extui %lt3A_47 : i1 to i32
        %cond3A = arith.constant 0 : i32
        %cond3A_48 = arith.cmpi ne, %convert_element_type3A, %cond3A : i32
        scf.if %cond3A_48 {
          %add3A_59 = arith.constant 2 : i32
          %add3A_60 = arith.addi %add3A_31, %add3A_59 : i32
          %dma_start3A_61 = arith.constant 0 : i32
          %dma_start3A_62 = tpu.memref_slice %arg8[%add3A_60, %dma_start3A_61] : memref<40x128xi32, #tpu.memory_space<vmem>> -> memref<1x128xi32, #tpu.memory_space<vmem>>
          %dma_start3A_63 = tpu.memref_squeeze %dma_start3A_62 : memref<1x128xi32, #tpu.memory_space<vmem>> -> memref<128xi32, #tpu.memory_space<vmem>>
          %dma_start3A_64 = arith.constant 0 : i32
          %dma_start3A_65 = arith.constant 0 : i32
          %dma_start3A_66 = tpu.memref_slice %arg2[%dma_start3A_64, %dma_start3A_65] : memref<10000x128xf32, #tpu.memory_space<hbm>> -> memref<10000x128xf32, #tpu.memory_space<hbm>>
          tpu.enqueue_indirect_dma source(%dma_start3A_66 : memref<10000x128xf32, #tpu.memory_space<hbm>>) target(%arg10 : memref<128x128xf32, #tpu.memory_space<vmem>>) offsets(%dma_start3A_63 : memref<128xi32, #tpu.memory_space<vmem>>) semaphore(%arg12 : memref<!tpu.dma_semaphore, #tpu.memory_space<semaphore_mem>>)
        } else {
        }
        %add3A_49 = arith.constant 1 : i32
        %add3A_50 = arith.addi %add3A_31, %add3A_49 : i32
        %dma_wait3A_51 = arith.constant 0 : i32
        %dma_wait3A_52 = tpu.memref_slice %arg8[%add3A_50, %dma_wait3A_51] : memref<40x128xi32, #tpu.memory_space<vmem>> -> memref<1x128xi32, #tpu.memory_space<vmem>>
        %dma_wait3A_53 = tpu.memref_squeeze %dma_wait3A_52 : memref<1x128xi32, #tpu.memory_space<vmem>> -> memref<128xi32, #tpu.memory_space<vmem>>
        %dma_wait3A_54 = arith.constant 0 : i32
        %dma_wait3A_55 = arith.constant 0 : i32
        %dma_wait3A_56 = tpu.memref_slice %arg2[%dma_wait3A_54, %dma_wait3A_55] : memref<10000x128xf32, #tpu.memory_space<hbm>> -> memref<10000x128xf32, #tpu.memory_space<hbm>>
        tpu.wait_indirect_dma semaphore(%arg13 : memref<!tpu.dma_semaphore, #tpu.memory_space<semaphore_mem>>) src(%dma_wait3A_56 : memref<10000x128xf32, #tpu.memory_space<hbm>>) dst(%arg11 : memref<128x128xf32, #tpu.memory_space<vmem>>)
        %add3A_57 = arith.constant 1 : i32
        %add3A_58 = arith.addi %add3A_31, %add3A_57 : i32
        "tpu.region"() ({
          %run_scoped3A = tpu.sem_alloc : memref<!tpu.dma_semaphore, #tpu.memory_space<semaphore_mem>>
          %dma_start3A_59 = arith.constant 0 : i32
          %dma_start3A_60 = tpu.memref_slice %arg9[%add3A_58, %dma_start3A_59] : memref<40x128xi32, #tpu.memory_space<vmem>> -> memref<1x128xi32, #tpu.memory_space<vmem>>
          %dma_start3A_61 = tpu.memref_squeeze %dma_start3A_60 : memref<1x128xi32, #tpu.memory_space<vmem>> -> memref<128xi32, #tpu.memory_space<vmem>>
          %dma_start3A_62 = arith.constant 0 : i32
          %dma_start3A_63 = arith.constant 0 : i32
          %dma_start3A_64 = tpu.memref_slice %arg7[%dma_start3A_62, %dma_start3A_63] : memref<10112x128xf32, #tpu.memory_space<vmem_shared>> -> memref<10112x128xf32, #tpu.memory_space<vmem_shared>>
          tpu.enqueue_indirect_dma source(%arg11 : memref<128x128xf32, #tpu.memory_space<vmem>>) target(%dma_start3A_64 : memref<10112x128xf32, #tpu.memory_space<vmem_shared>>) offsets(%dma_start3A_61 : memref<128xi32, #tpu.memory_space<vmem>>) semaphore(%run_scoped3A : memref<!tpu.dma_semaphore, #tpu.memory_space<semaphore_mem>>) {add = true}
          %dma_wait3A_65 = arith.constant 0 : i32
          %dma_wait3A_66 = tpu.memref_slice %arg9[%add3A_58, %dma_wait3A_65] : memref<40x128xi32, #tpu.memory_space<vmem>> -> memref<1x128xi32, #tpu.memory_space<vmem>>
          %dma_wait3A_67 = tpu.memref_squeeze %dma_wait3A_66 : memref<1x128xi32, #tpu.memory_space<vmem>> -> memref<128xi32, #tpu.memory_space<vmem>>
          %dma_wait3A_68 = arith.constant 0 : i32
          %dma_wait3A_69 = arith.constant 0 : i32
          %dma_wait3A_70 = tpu.memref_slice %arg7[%dma_wait3A_68, %dma_wait3A_69] : memref<10112x128xf32, #tpu.memory_space<vmem_shared>> -> memref<10112x128xf32, #tpu.memory_space<vmem_shared>>
          tpu.wait_indirect_dma semaphore(%run_scoped3A : memref<!tpu.dma_semaphore, #tpu.memory_space<semaphore_mem>>) src(%arg11 : memref<128x128xf32, #tpu.memory_space<vmem>>) dst(%dma_wait3A_70 : memref<10112x128xf32, #tpu.memory_space<vmem_shared>>)
          tpu.yield
        }) : () -> ()
      }
      %scan3A_26 = arith.constant 20 : i32
    }
    %scan3A_6 = arith.constant 2 : i32
    %barrier3A_7 = arith.constant 0 : index
    tpu.barrier barrier_id(%barrier3A_7)
    "tpu.region"() ({
      %run_scoped3A = tpu.sem_alloc : memref<!tpu.dma_semaphore, #tpu.memory_space<semaphore_mem>>
      %dma_start3A = arith.constant 0 : i32
      %dma_start3A_8 = tpu.memref_slice %arg6[%arg0, %mul3A_2, %dma_start3A] : memref<2x10112x128xf32, #tpu.memory_space<hbm>> -> memref<1x632x128xf32, #tpu.memory_space<hbm>>
      %dma_start3A_9 = tpu.memref_squeeze %dma_start3A_8 : memref<1x632x128xf32, #tpu.memory_space<hbm>> -> memref<632x128xf32, #tpu.memory_space<hbm>>
      %dma_start3A_10 = arith.constant 0 : i32
      %dma_start3A_11 = tpu.memref_slice %arg7[%mul3A_2, %dma_start3A_10] : memref<10112x128xf32, #tpu.memory_space<vmem_shared>> -> memref<632x128xf32, #tpu.memory_space<vmem_shared>>
      tpu.enqueue_dma source(%dma_start3A_11 : memref<632x128xf32, #tpu.memory_space<vmem_shared>>) target(%dma_start3A_9 : memref<632x128xf32, #tpu.memory_space<hbm>>) target_semaphore(%run_scoped3A : memref<!tpu.dma_semaphore, #tpu.memory_space<semaphore_mem>>)
      %dma_wait3A = arith.constant 0 : i32
      %dma_wait3A_12 = tpu.memref_slice %arg6[%arg0, %mul3A_2, %dma_wait3A] : memref<2x10112x128xf32, #tpu.memory_space<hbm>> -> memref<1x632x128xf32, #tpu.memory_space<hbm>>
      %dma_wait3A_13 = tpu.memref_squeeze %dma_wait3A_12 : memref<1x632x128xf32, #tpu.memory_space<hbm>> -> memref<632x128xf32, #tpu.memory_space<hbm>>
      %dma_wait3A_14 = arith.constant 0 : i32
      %dma_wait3A_15 = tpu.memref_slice %arg7[%mul3A_2, %dma_wait3A_14] : memref<10112x128xf32, #tpu.memory_space<vmem_shared>> -> memref<632x128xf32, #tpu.memory_space<vmem_shared>>
      tpu.wait_dma2 semaphore(%run_scoped3A : memref<!tpu.dma_semaphore, #tpu.memory_space<semaphore_mem>>) src(%dma_wait3A_15 : memref<632x128xf32, #tpu.memory_space<vmem_shared>>) dst(%dma_wait3A_13 : memref<632x128xf32, #tpu.memory_space<hbm>>)
      tpu.yield
    }) : () -> ()
    return
  }
}

module attributes {stable_mosaic.version = 14 : i64} {
  func.func @_hist_body(%arg0: i32, %arg1: memref<1x1x2500xi32, #tpu.memory_space<vmem>>, %arg2: memref<128x128xf32, #tpu.memory_space<vmem>>) attributes {dimension_semantics = [#tpu.dimension_semantics<arbitrary>], iteration_bounds = array<i64: 128>, scalar_prefetch = 0 : i64, scratch_operands = 0 : i64, tpu.core_type = #tpu.core_type<tc>, window_params = [{transform_indices = @transform_0, window_bounds = array<i64: 1, 1, 2500>}, {pipeline_mode = #tpu.pipeline_mode<synchronous>, transform_indices = @transform_1, window_bounds = array<i64: 128, 128>}]} {
    %get3A = arith.constant 0 : index
    %get3A_0 = arith.constant 0 : index
    %get3A_1 = arith.constant 0 : index
    %get3A_2 = vector.load %arg1[%get3A, %get3A_0, %get3A_1] : memref<1x1x2500xi32, #tpu.memory_space<vmem>>, vector<1x1x2500xi32>
    %get3A_3 = vector.shape_cast %get3A_2 : vector<1x1x2500xi32> to vector<1x2500xi32>
    %jit3A = arith.constant 128 : i32
    %div3A = vector.broadcast %jit3A : i32 to vector<1x2500xi32>
    %div3A_4 = arith.divsi %get3A_3, %div3A : vector<1x2500xi32>
    %sign3A = arith.constant 0 : i32
    %sign3A_5 = vector.broadcast %sign3A : i32 to vector<1x2500xi32>
    %sign3A_6 = arith.cmpi sgt, %get3A_3, %sign3A_5 : vector<1x2500xi32>
    %sign3A_7 = arith.extui %sign3A_6 : vector<1x2500xi1> to vector<1x2500xi32>
    %sign3A_8 = arith.constant 0 : i32
    %sign3A_9 = vector.broadcast %sign3A_8 : i32 to vector<1x2500xi32>
    %sign3A_10 = arith.cmpi slt, %get3A_3, %sign3A_9 : vector<1x2500xi32>
    %sign3A_11 = arith.extui %sign3A_10 : vector<1x2500xi1> to vector<1x2500xi32>
    %sign3A_12 = arith.subi %sign3A_7, %sign3A_11 : vector<1x2500xi32>
    %sign3A_13 = arith.constant 0 : i32
    %sign3A_14 = arith.cmpi sgt, %jit3A, %sign3A_13 : i32
    %sign3A_15 = arith.extui %sign3A_14 : i1 to i32
    %sign3A_16 = arith.constant 0 : i32
    %sign3A_17 = arith.cmpi slt, %jit3A, %sign3A_16 : i32
    %sign3A_18 = arith.extui %sign3A_17 : i1 to i32
    %sign3A_19 = arith.subi %sign3A_15, %sign3A_18 : i32
    %ne3A = vector.broadcast %sign3A_19 : i32 to vector<1x2500xi32>
    %ne3A_20 = arith.cmpi ne, %sign3A_12, %ne3A : vector<1x2500xi32>
    %rem3A = vector.broadcast %jit3A : i32 to vector<1x2500xi32>
    %rem3A_21 = arith.remsi %get3A_3, %rem3A : vector<1x2500xi32>
    %ne3A_22 = arith.constant 0 : i32
    %ne3A_23 = vector.broadcast %ne3A_22 : i32 to vector<1x2500xi32>
    %ne3A_24 = arith.cmpi ne, %rem3A_21, %ne3A_23 : vector<1x2500xi32>
    %and3A = arith.andi %ne3A_20, %ne3A_24 : vector<1x2500xi1>
    %sub3A = arith.constant 1 : i32
    %sub3A_25 = vector.broadcast %sub3A : i32 to vector<1x2500xi32>
    %sub3A_26 = arith.subi %div3A_4, %sub3A_25 : vector<1x2500xi32>
    %select_n3A = arith.select %and3A, %sub3A_26, %div3A_4 : vector<1x2500xi1>, vector<1x2500xi32>
    %mul3A = arith.constant 128 : i32
    %mul3A_27 = vector.broadcast %mul3A : i32 to vector<1x2500xi32>
    %mul3A_28 = arith.muli %select_n3A, %mul3A_27 : vector<1x2500xi32>
    %sub3A_29 = arith.subi %get3A_3, %mul3A_28 : vector<1x2500xi32>
    %iota3A = tpu.iota {dimensions = array<i32: 0>} : vector<128x2500xi32>
    %eq3A = vector.broadcast %select_n3A : vector<1x2500xi32> to vector<128x2500xi32>
    %eq3A_30 = arith.cmpi eq, %eq3A, %iota3A : vector<128x2500xi32>
    %convert_element_type3A = arith.extui %eq3A_30 : vector<128x2500xi1> to vector<128x2500xi32>
    %convert_element_type3A_31 = arith.sitofp %convert_element_type3A : vector<128x2500xi32> to vector<128x2500xf32>
    %convert_element_type3A_32 = arith.truncf %convert_element_type3A_31 : vector<128x2500xf32> to vector<128x2500xbf16>
    %eq3A_33 = vector.broadcast %sub3A_29 : vector<1x2500xi32> to vector<128x2500xi32>
    %eq3A_34 = arith.cmpi eq, %eq3A_33, %iota3A : vector<128x2500xi32>
    %convert_element_type3A_35 = arith.extui %eq3A_34 : vector<128x2500xi1> to vector<128x2500xi32>
    %convert_element_type3A_36 = arith.sitofp %convert_element_type3A_35 : vector<128x2500xi32> to vector<128x2500xf32>
    %convert_element_type3A_37 = arith.truncf %convert_element_type3A_36 : vector<128x2500xf32> to vector<128x2500xbf16>
    %dot_general3A = arith.constant dense<0.000000e+00> : vector<128x128xf32>
    %dot_general3A_38 = tpu.matmul %convert_element_type3A_32, %convert_element_type3A_37, %dot_general3A {dimension_numbers = #tpu.dot_dimension_numbers<[1], [1], [0], [0], [0, 0, 1, 0], [], []>, transpose_lhs_hint = false} : vector<128x2500xbf16>, vector<128x2500xbf16>, vector<128x128xf32> -> vector<128x128xf32>
    %eq3A_39 = arith.constant 0 : i32
    %eq3A_40 = arith.cmpi eq, %arg0, %eq3A_39 : i32
    %convert_element_type3A_41 = arith.extui %eq3A_40 : i1 to i32
    %cond3A = arith.constant 0 : i32
    %cond3A_42 = arith.cmpi ne, %convert_element_type3A_41, %cond3A : i32
    scf.if %cond3A_42 {
      %broadcast_in_dim3A = arith.constant 0.000000e+00 : f32
      %broadcast_in_dim3A_48 = vector.broadcast %broadcast_in_dim3A : f32 to vector<128x128xf32>
      %swap3A_49 = arith.constant 0 : index
      %swap3A_50 = arith.constant 0 : index
      %swap3A_51 = vector.load %arg2[%swap3A_49, %swap3A_50] : memref<128x128xf32, #tpu.memory_space<vmem>>, vector<128x128xf32>
      tpu.vector_store %arg2[%swap3A_49, %swap3A_50], %broadcast_in_dim3A_48 {strides = array<i32>} : memref<128x128xf32, #tpu.memory_space<vmem>>, vector<128x128xf32>,
    } else {
    }
    %get3A_43 = arith.constant 0 : index
    %get3A_44 = arith.constant 0 : index
    %get3A_45 = vector.load %arg2[%get3A_43, %get3A_44] : memref<128x128xf32, #tpu.memory_space<vmem>>, vector<128x128xf32>
    %add3A = arith.addf %get3A_45, %dot_general3A_38 : vector<128x128xf32>
    %swap3A = arith.constant 0 : index
    %swap3A_46 = arith.constant 0 : index
    %swap3A_47 = vector.load %arg2[%swap3A, %swap3A_46] : memref<128x128xf32, #tpu.memory_space<vmem>>, vector<128x128xf32>
    tpu.vector_store %arg2[%swap3A, %swap3A_46], %add3A {strides = array<i32>} : memref<128x128xf32, #tpu.memory_space<vmem>>, vector<128x128xf32>,
    return
  }
  func.func @transform_0(%arg0: i32) -> (i32, i32, i32) {
    %c0_i32 = arith.constant 0 : i32
    %c0_i32_0 = arith.constant 0 : i32
    %c0_i32_1 = arith.constant 0 : i32
    return %arg0, %c0_i32, %c0_i32_0 : i32, i32, i32
  }
  func.func @transform_1(%arg0: i32) -> (i32, i32) {
    %c0_i32 = arith.constant 0 : i32
    %c0_i32_0 = arith.constant 0 : i32
    %c0_i32_1 = arith.constant 0 : i32
    return %c0_i32, %c0_i32_0 : i32, i32
  }
}

module attributes {stable_mosaic.version = 14 : i64} {
  func.func @_tc1_body(%arg0: memref<2x10112x128xf32, #tpu.memory_space<vmem>>, %arg1: memref<10000x1xf32, #tpu.memory_space<vmem>>, %arg2: memref<10000x128xf32, #tpu.memory_space<vmem>>, %arg3: memref<128x256xf32, #tpu.memory_space<vmem>>, %arg4: memref<128x256xf32, #tpu.memory_space<vmem>>, %arg5: memref<256xf32, #tpu.memory_space<vmem>>, %arg6: memref<256x128xf32, #tpu.memory_space<vmem>>, %arg7: memref<256x128xf32, #tpu.memory_space<vmem>>, %arg8: memref<128xf32, #tpu.memory_space<vmem>>, %arg9: memref<10000x128xf32, #tpu.memory_space<vmem>>, %arg10: memref<10000x128xf32, #tpu.memory_space<vmem>>) attributes {dimension_semantics = [], scalar_prefetch = 0 : i64, scratch_operands = 0 : i64, tpu.core_type = #tpu.core_type<tc>} {
    %get3A = arith.constant 0 : index
    %get3A_0 = arith.constant 0 : index
    %get3A_1 = vector.load %arg1[%get3A, %get3A_0] : memref<10000x1xf32, #tpu.memory_space<vmem>>, vector<10000x1xf32>
    %max3A = arith.constant 1.000000e+00 : f32
    %max3A_2 = vector.broadcast %max3A : f32 to vector<10000x1xf32>
    %max3A_3 = arith.maximumf %get3A_1, %max3A_2 : vector<10000x1xf32>
    %get3A_4 = arith.constant 0 : index
    %get3A_5 = arith.constant 0 : index
    %get3A_6 = arith.constant 0 : index
    %get3A_7 = vector.load %arg0[%get3A_4, %get3A_5, %get3A_6] : memref<2x10112x128xf32, #tpu.memory_space<vmem>>, vector<1x10000x128xf32>
    %get3A_8 = vector.shape_cast %get3A_7 : vector<1x10000x128xf32> to vector<10000x128xf32>
    %get3A_9 = arith.constant 1 : index
    %get3A_10 = arith.constant 0 : index
    %get3A_11 = arith.constant 0 : index
    %get3A_12 = vector.load %arg0[%get3A_9, %get3A_10, %get3A_11] : memref<2x10112x128xf32, #tpu.memory_space<vmem>>, vector<1x10000x128xf32>
    %get3A_13 = vector.shape_cast %get3A_12 : vector<1x10000x128xf32> to vector<10000x128xf32>
    %add3A = arith.addf %get3A_8, %get3A_13 : vector<10000x128xf32>
    %div3A = vector.broadcast %max3A_3 : vector<10000x1xf32> to vector<10000x128xf32>
    %div3A_14 = arith.divf %add3A, %div3A : vector<10000x128xf32>
    %get3A_15 = arith.constant 0 : index
    %get3A_16 = arith.constant 0 : index
    %get3A_17 = vector.load %arg3[%get3A_15, %get3A_16] : memref<128x256xf32, #tpu.memory_space<vmem>>, vector<128x256xf32>
    %dot_general3A = arith.constant dense<0.000000e+00> : vector<10000x256xf32>
    %dot_general3A_18 = tpu.matmul %div3A_14, %get3A_17, %dot_general3A {dimension_numbers = #tpu.dot_dimension_numbers<[1], [0], [0], [1], [0, 0, 1, 1], [], []>, transpose_lhs_hint = false} : vector<10000x128xf32>, vector<128x256xf32>, vector<10000x256xf32> -> vector<10000x256xf32>
    %get3A_19 = arith.constant 0 : index
    %get3A_20 = arith.constant 0 : index
    %get3A_21 = vector.load %arg2[%get3A_19, %get3A_20] : memref<10000x128xf32, #tpu.memory_space<vmem>>, vector<10000x128xf32>
    %get3A_22 = arith.constant 0 : index
    %get3A_23 = arith.constant 0 : index
    %get3A_24 = vector.load %arg4[%get3A_22, %get3A_23] : memref<128x256xf32, #tpu.memory_space<vmem>>, vector<128x256xf32>
    %dot_general3A_25 = arith.constant dense<0.000000e+00> : vector<10000x256xf32>
    %dot_general3A_26 = tpu.matmul %get3A_21, %get3A_24, %dot_general3A_25 {dimension_numbers = #tpu.dot_dimension_numbers<[1], [0], [0], [1], [0, 0, 1, 1], [], []>, transpose_lhs_hint = false} : vector<10000x128xf32>, vector<128x256xf32>, vector<10000x256xf32> -> vector<10000x256xf32>
    %add3A_27 = arith.addf %dot_general3A_18, %dot_general3A_26 : vector<10000x256xf32>
    %get3A_28 = arith.constant 0 : index
    %get3A_29 = vector.load %arg5[%get3A_28] : memref<256xf32, #tpu.memory_space<vmem>>, vector<256xf32>
    %broadcast_in_dim3A = vector.shape_cast %get3A_29 : vector<256xf32> to vector<1x256xf32>
    %add3A_30 = vector.broadcast %broadcast_in_dim3A : vector<1x256xf32> to vector<10000x256xf32>
    %add3A_31 = arith.addf %add3A_27, %add3A_30 : vector<10000x256xf32>
    %max3A_32 = arith.constant 0.000000e+00 : f32
    %max3A_33 = vector.broadcast %max3A_32 : f32 to vector<10000x256xf32>
    %max3A_34 = arith.maximumf %add3A_31, %max3A_33 : vector<10000x256xf32>
    %get3A_35 = arith.constant 0 : index
    %get3A_36 = arith.constant 0 : index
    %get3A_37 = vector.load %arg6[%get3A_35, %get3A_36] : memref<256x128xf32, #tpu.memory_space<vmem>>, vector<256x128xf32>
    %dot_general3A_38 = arith.constant dense<0.000000e+00> : vector<10000x128xf32>
    %dot_general3A_39 = tpu.matmul %max3A_34, %get3A_37, %dot_general3A_38 {dimension_numbers = #tpu.dot_dimension_numbers<[1], [0], [0], [1], [0, 0, 1, 1], [], []>, transpose_lhs_hint = false} : vector<10000x256xf32>, vector<256x128xf32>, vector<10000x128xf32> -> vector<10000x128xf32>
    %swap3A = arith.constant 0 : index
    %swap3A_40 = arith.constant 0 : index
    %swap3A_41 = vector.load %arg9[%swap3A, %swap3A_40] : memref<10000x128xf32, #tpu.memory_space<vmem>>, vector<10000x128xf32>
    tpu.vector_store %arg9[%swap3A, %swap3A_40], %dot_general3A_39 {strides = array<i32>} : memref<10000x128xf32, #tpu.memory_space<vmem>>, vector<10000x128xf32>,
    %get3A_42 = arith.constant 0 : index
    %get3A_43 = arith.constant 0 : index
    %get3A_44 = vector.load %arg7[%get3A_42, %get3A_43] : memref<256x128xf32, #tpu.memory_space<vmem>>, vector<256x128xf32>
    %dot_general3A_45 = arith.constant dense<0.000000e+00> : vector<10000x128xf32>
    %dot_general3A_46 = tpu.matmul %max3A_34, %get3A_44, %dot_general3A_45 {dimension_numbers = #tpu.dot_dimension_numbers<[1], [0], [0], [1], [0, 0, 1, 1], [], []>, transpose_lhs_hint = false} : vector<10000x256xf32>, vector<256x128xf32>, vector<10000x128xf32> -> vector<10000x128xf32>
    %get3A_47 = arith.constant 0 : index
    %get3A_48 = vector.load %arg8[%get3A_47] : memref<128xf32, #tpu.memory_space<vmem>>, vector<128xf32>
    %broadcast_in_dim3A_49 = vector.shape_cast %get3A_48 : vector<128xf32> to vector<1x128xf32>
    %add3A_50 = vector.broadcast %broadcast_in_dim3A_49 : vector<1x128xf32> to vector<10000x128xf32>
    %add3A_51 = arith.addf %dot_general3A_46, %add3A_50 : vector<10000x128xf32>
    %swap3A_52 = arith.constant 0 : index
    %swap3A_53 = arith.constant 0 : index
    %swap3A_54 = vector.load %arg10[%swap3A_52, %swap3A_53] : memref<10000x128xf32, #tpu.memory_space<vmem>>, vector<10000x128xf32>
    tpu.vector_store %arg10[%swap3A_52, %swap3A_53], %add3A_51 {strides = array<i32>} : memref<10000x128xf32, #tpu.memory_space<vmem>>, vector<10000x128xf32>,
    return
  }
}

module attributes {stable_mosaic.version = 14 : i64} {
  func.func @_tc2_body(%arg0: memref<2x10112x128xf32, #tpu.memory_space<vmem>>, %arg1: memref<10000x1xf32, #tpu.memory_space<vmem>>, %arg2: memref<10000x128xf32, #tpu.memory_space<vmem>>, %arg3: memref<10000x128xf32, #tpu.memory_space<vmem>>) attributes {dimension_semantics = [], scalar_prefetch = 0 : i64, scratch_operands = 0 : i64, tpu.core_type = #tpu.core_type<tc>} {
    %get3A = arith.constant 0 : index
    %get3A_0 = arith.constant 0 : index
    %get3A_1 = vector.load %arg1[%get3A, %get3A_0] : memref<10000x1xf32, #tpu.memory_space<vmem>>, vector<10000x1xf32>
    %max3A = arith.constant 1.000000e+00 : f32
    %max3A_2 = vector.broadcast %max3A : f32 to vector<10000x1xf32>
    %max3A_3 = arith.maximumf %get3A_1, %max3A_2 : vector<10000x1xf32>
    %get3A_4 = arith.constant 0 : index
    %get3A_5 = arith.constant 0 : index
    %get3A_6 = arith.constant 0 : index
    %get3A_7 = vector.load %arg0[%get3A_4, %get3A_5, %get3A_6] : memref<2x10112x128xf32, #tpu.memory_space<vmem>>, vector<1x10000x128xf32>
    %get3A_8 = vector.shape_cast %get3A_7 : vector<1x10000x128xf32> to vector<10000x128xf32>
    %get3A_9 = arith.constant 1 : index
    %get3A_10 = arith.constant 0 : index
    %get3A_11 = arith.constant 0 : index
    %get3A_12 = vector.load %arg0[%get3A_9, %get3A_10, %get3A_11] : memref<2x10112x128xf32, #tpu.memory_space<vmem>>, vector<1x10000x128xf32>
    %get3A_13 = vector.shape_cast %get3A_12 : vector<1x10000x128xf32> to vector<10000x128xf32>
    %add3A = arith.addf %get3A_8, %get3A_13 : vector<10000x128xf32>
    %div3A = vector.broadcast %max3A_3 : vector<10000x1xf32> to vector<10000x128xf32>
    %div3A_14 = arith.divf %add3A, %div3A : vector<10000x128xf32>
    %get3A_15 = arith.constant 0 : index
    %get3A_16 = arith.constant 0 : index
    %get3A_17 = vector.load %arg2[%get3A_15, %get3A_16] : memref<10000x128xf32, #tpu.memory_space<vmem>>, vector<10000x128xf32>
    %add3A_18 = arith.addf %div3A_14, %get3A_17 : vector<10000x128xf32>
    %swap3A = arith.constant 0 : index
    %swap3A_19 = arith.constant 0 : index
    %swap3A_20 = vector.load %arg3[%swap3A, %swap3A_19] : memref<10000x128xf32, #tpu.memory_space<vmem>>, vector<10000x128xf32>
    tpu.vector_store %arg3[%swap3A, %swap3A_19], %add3A_18 {strides = array<i32>} : memref<10000x128xf32, #tpu.memory_space<vmem>>, vector<10000x128xf32>,
    return
  }
}

</mosaic_0001>

<sc_bundles>
// kernel: kernel.10.cloned.1.call-start
scs
__scs_entry_jumppad:
0x0: {  	(pc) =	sbr.rel $0x88, $3  }
0x1: {  	(tag) =	ssettag $0x0;
	lr =	simm.s32 $0x1  }
0x2: {  	[smem:$0x3F99] =	sst lr;
	_ =	strace $0xD0000000  }
0x3: {  	_ = 	snop  }
0x4: {  	_ = 	snop  }
0x5: {  	_ = 	snop  }
0x6: {  	_ = 	snop  }
0x7: {  	_ = 	snop  }
__scs_overlays_trampoline_lowered:
0x8: {  	[smem:$0x3FA8] =	sst s0  }
0x9: {  	[smem:$0x3FA9] =	sst s1  }
0xa: {  	[smem:$0x3FAA] =	sst s2  }
0xb: {  	[smem:$0x3FAB] =	sst s3  }
0xc: {  	[smem:$0x3FAC] =	sst s4  }
0xd: {  	[smem:$0x3FAD] =	sst s5  }
0xe: {  	[smem:$0x3FAE] =	sst s6  }
0xf: {  	[smem:$0x3FAF] =	sst s7  }
0x10: {  	[smem:$0x3FB0] =	sst s8  }
0x11: {  	[smem:$0x3FB1] =	sst s9;
	s0 =	simm.s32 @!p0 $0x0  }
0x12: {  	s1 =	sld [smem:$0x3F97];
	s0 =	simm.s32 @p0 $0x1  }
0x13: {  	[smem:$0x3FB2] =	sst s0;
	s0 =	simm.s32 @!p1 $0x0  }
0x14: {  	s2 =	sld [smem:$0x3F96];
	s0 =	simm.s32 @p1 $0x1  }
0x15: {  	[smem:$0x3FB3] =	sst s0;
	s0 =	simm.s32 @!p2 $0x0  }
0x16: {  	s3 =	sld [smem:$0x3FDB];
	s0 =	simm.s32 @p2 $0x1  }
0x17: {  	s4 =	simm.s32 $0x1BF5;
	[smem:$0x3FB5] =	sst s0  }
0x18: {  	s0 =	sld [smem:$0x3F98];
	_ =	swait.ge [sflag:s4], $0x0  }
0x19: {  	s7 =	sld [smem:$0x3F99]  }
0x1a: {  	s8 =	sadd.s32 $0xFFFFE003, lr  }
0x1b: {  	s9 =	sadd.s32 $0xFFFFFEF7, lr;
	s5 =	simm.s32 $0xFFFFFFFF;
	p2 =	slt.u32 s8, $0xFFFFF086  }
0x1c: {  	p1 =	slt.u32 s9, $0xF7A;
	s5 =	simm.s32 @!p2 $0x0  }
0x1d: {  	s5 =	simm.s32 @p1 $0x1;
	p0 =	seq.s32 s7, s2  }
0x1e: {  	s7 =	smul.u32 @!p0 $0xF7A, s2;
	p2 =	seq.s32 @!p0 s5, $0x0  }
0x1f: {  	s9 =	smul.u32 $0xF7A, s1;
	s8 =	simm.s32 @!p0 $0x1BF5;
	p2 =	por !p2, p0  }
0x20: {  	[sflag:s8] =	ssyncset.s32 @!p0 $0xFFFFF086;
	s6 =	sadd.s32 @!p0 s3, s7;
	s7 =	simm.s32 @!p0 $0x108  }
0x21: {  	s3 =	sadd.s32 s3, s9;
	s6 =	sadd.s32 @!p0 $0x88, s6;
	s7 =	simm.s32 @p2 $0x1082  }
0x22: {  	[simem:s7], [sflag:s8] =	dma.local @!p0 [hbm:s6], $0xF7A  }
0x23: {  	s9 =	sor.u32 $0xD0000000, s2;
	s6 =	simm.s32 $0x108;
	_ =	swait.ge @!p0 [sflag:s8], $0x0  }
0x24: {  	s3 =	sadd.s32 $0x88, s3;
	s6 =	simm.s32 @!p1 $0x1082;
	[sflag:s4] =	ssyncset.s32 $0xFFFFF086  }
0x25: {  	[simem:s6], [sflag:s4] =	dma.local [hbm:s3], $0xF7A  }
0x26: {  	[smem:$0x3F99] =	sst s1;
	(tag) =	ssettag s2;
	_ =	strace s9  }
0x27: {  	s1 =	sld [smem:$0x3FA9]  }
0x28: {  	s2 =	sld [smem:$0x3FAA]  }
0x29: {  	s4 =	sld [smem:$0x3FAC]  }
0x2a: {  	p0 =	seq.s32 s5, $0x0;
	s5 =	sld [smem:$0x3FAD]  }
0x2b: {  	s6 =	sld [smem:$0x3FAE]  }
0x2c: {  	s7 =	sld [smem:$0x3FAF]  }
0x2d: {  	s3 =	simm.s32 $0x108;
	s8 =	sld [smem:$0x3FB0]  }
0x2e: {  	s3 =	simm.s32 @!p0 $0x1082;
	s9 =	sld [smem:$0x3FB1]  }
0x2f: {  	lr =	sadd.s32 s0, s3;
	s0 =	sld [smem:$0x3FA8]  }
0x30: {  	s3 =	sld [smem:$0x3FAB]  }
0x31: {  	[smem:$0x3FB4] =	sst s10  }
0x32: {  	s10 =	sld [smem:$0x3FB2];
	_ =	sdelay $0x3  }
0x33: {  	p0 =	seq.s32 s10, $0x1;
	s10 =	sld [smem:$0x3FB4];
	_ =	sdelay $0x3  }
0x34: {  	[smem:$0x3FB4] =	sst s10  }
0x35: {  	s10 =	sld [smem:$0x3FB3];
	_ =	sdelay $0x3  }
0x36: {  	p1 =	seq.s32 s10, $0x1;
	s10 =	sld [smem:$0x3FB4];
	_ =	sdelay $0x3  }
0x37: {  	[smem:$0x3FB4] =	sst s10  }
0x38: {  	s10 =	sld [smem:$0x3FB5]  }
0x39: {  	_ = 	snop;
	(pc) =	sbr.ind lr, $3  }
0x3a: {  	_ = 	snop  }
0x3b: {  	_ = 	snop  }
0x3c: {  	p2 =	seq.s32 s10, $0x1;
	s10 =	sld [smem:$0x3FB4]  }
0x3d: {  	_ =	shalt  }
0x3e: {  	_ =	shalt  }
0x3f: {  	_ =	shalt  }
0x40: {  	_ =	shalt  }
0x41: {  	_ =	shalt  }
0x42: {  	_ =	shalt  }
0x43: {  	_ =	shalt  }
0x44: {  	_ =	shalt  }
0x45: {  	_ =	shalt  }
0x46: {  	_ =	shalt  }
0x47: {  	_ =	shalt  }
0x48: {  	_ =	shalt  }
0x49: {  	_ =	shalt  }
0x4a: {  	_ =	shalt  }
0x4b: {  	_ =	shalt  }
0x4c: {  	_ =	shalt  }
0x4d: {  	_ =	shalt  }
0x4e: {  	_ =	shalt  }
0x4f: {  	_ =	shalt  }
0x50: {  	_ =	shalt  }
0x51: {  	_ =	shalt  }
0x52: {  	_ =	shalt  }
0x53: {  	_ =	shalt  }
0x54: {  	_ =	shalt  }
0x55: {  	_ =	shalt  }
0x56: {  	_ =	shalt  }
0x57: {  	_ =	shalt  }
0x58: {  	_ =	shalt  }
0x59: {  	_ =	shalt  }
0x5a: {  	_ =	shalt  }
0x5b: {  	_ =	shalt  }
0x5c: {  	_ =	shalt  }
0x5d: {  	_ =	shalt  }
0x5e: {  	_ =	shalt  }
0x5f: {  	_ =	shalt  }
0x60: {  	_ =	shalt  }
0x61: {  	_ =	shalt  }
0x62: {  	_ =	shalt  }
0x63: {  	_ =	shalt  }
0x64: {  	_ =	shalt  }
0x65: {  	_ =	shalt  }
0x66: {  	_ =	shalt  }
0x67: {  	_ =	shalt  }
0x68: {  	_ =	shalt  }
0x69: {  	_ =	shalt  }
0x6a: {  	_ =	shalt  }
0x6b: {  	_ =	shalt  }
0x6c: {  	_ =	shalt  }
0x6d: {  	_ =	shalt  }
0x6e: {  	_ =	shalt  }
0x6f: {  	_ =	shalt  }
0x70: {  	_ =	shalt  }
0x71: {  	_ =	shalt  }
0x72: {  	_ =	shalt  }
0x73: {  	_ =	shalt  }
0x74: {  	_ =	shalt  }
0x75: {  	_ =	shalt  }
0x76: {  	_ =	shalt  }
0x77: {  	_ =	shalt  }
0x78: {  	_ =	shalt  }
0x79: {  	_ =	shalt  }
0x7a: {  	_ =	shalt  }
0x7b: {  	_ =	shalt  }
0x7c: {  	_ =	shalt  }
0x7d: {  	_ =	shalt  }
0x7e: {  	_ =	shalt  }
0x7f: {  	_ =	shalt  }
0x80: {  	_ =	shalt  }
0x81: {  	_ =	shalt  }
0x82: {  	_ =	shalt  }
0x83: {  	_ =	shalt  }
0x84: {  	_ =	shalt  }
0x85: {  	_ =	shalt  }
0x86: {  	_ =	shalt  }
0x87: {  	_ =	shalt  }
.Lfunc_end0:
.L_simem_size_0:
called_computation.1_lowered:
.L_overlay_start_0:
0x88: {  	s2 =	sld [smem:$0x3FD9]  }
0x89: {  	s3 =	sld [smem:$0x3FFE];
	_ =	sdelay $0x1  }
0x8a: {  	s1 =	srdreg.scid  }
0x8b: {  	s0 =	sand.u32 $0x1, s1  }
0x8c: {  	s17 =	sshll.u32 s0, $0xA;
	s2 =	sadd.s32 s3, s2  }
0x8d: {  	s2 =	sadd.s32 s2, s17  }
0x8e: {  	[smem:$0x3FC0] =	sst s2  }
0x8f: {  	_ = 	snop  }
0x90: {  	s2 =	sld [smem:$0x3FD0];
	(tm) =	ssettm $0x1  }
0x91: {  	s18 =	sld [smem:$0x3FFB];
	_ =	sdelay $0x3  }
0x92: {  	_ =	strace s18  }
0x93: {  	s3 =	sld [smem:$0x3FFC];
	_ =	sdelay $0x3  }
0x94: {  	_ =	strace s3  }
0x95: {  	s3 =	sld [smem:$0x3FFD];
	_ =	sdelay $0x3  }
0x96: {  	_ =	strace s3  }
0x97: {  	_ =	strace $0x8FFFFFFF  }
0x98: {  	s19 =	sld [smem:$0x3FDB];
	_ =	sdelay $0x1  }
0x99: {  	s4 =	simm.s32 $_scs_section_size  }
0x9a: {  	s5 =	simm.s32 $_size__tile_overlayer_lowered;
	s6 =	simm.s32 $_tile_overlayer_lowered  }
0x9b: {  	s22 =	simm.s32 $0x1BFF;
	s21 =	sshll.u32 s6, $0x1;
	s3 =	sadd.s32 s4, s19  }
0x9c: {  	s7 =	simm.s32 $0x0;
	s20 =	sshll.u32 s5, $0x1;
	s5 =	sadd.s32 s21, s3  }
0x9d: {  	[timem:s7], [sflag:s22] =	dma.local [hbm:s5], s20  }
0x9e: {  	_ =	swait.ge [sflag:s22], s20  }
0x9f: {  	s4 =	ssub.s32 $0x0, s20;
	[sflag:s22] =	ssyncset.done $0x0  }
0xa0: {  	[sflag:s22] =	ssyncadd.s32 s4;
	_ =	sdelay $0x1  }
0xa1: {  	s23 =	simm.s32 $0x1B8B  }
0xa2: {  	_ =	swait.ge [sflag:s23], $0x1  }
0xa3: {  	[sflag:s23] =	ssyncset.done $0x0  }
0xa4: {  	s25 =	simm.s32 $0x1B8E;
	s24 =	sld [smem:$0x3FFE];
	[sflag:s23] =	ssyncadd.s32 $0xFFFFFFFF  }
0xa5: {  	s26 =	simm.s32 $execute0_lowered;
	[smem:$0x3FD2] =	sst s25  }
0xa6: {  	s5 =	sshll.u32 s26, $0x1;
	_ =	strace $0x80000049;
	[dreg:$0x1] =	wrdreg $0xFFFFFFFF  }
0xa7: {  	s28 =	simm.s32 $_size_execute0_lowered;
	s3 =	sadd.s32 s3, s5;
	[dreg:$0x0] =	wrdreg $0x0  }
0xa8: {  	s5 =	sshll.u32 s28, $0x1;
	[dreg:$0x2] =	wrdreg s3  }
0xa9: {  	[dreg:$0x3] =	wrdreg s5  }
0xaa: {  	[dreg:$0x4] =	wrdreg $0xC0  }
0xab: {  	_ =	task [dreg:s7], $0x5FFFF  }
0xac: {  	[dreg:$0x1] =	wrdreg $0xFFFFFFFF  }
0xad: {  	[dreg:$0x0] =	wrdreg $0x60  }
0xae: {  	[dreg:$0x2] =	wrdreg s2  }
0xaf: {  	[dreg:$0x3] =	wrdreg s24  }
0xb0: {  	[dreg:$0x4] =	wrdreg $0x0  }
0xb1: {  	[dreg:$0x5] =	wrdreg $0x9  }
0xb2: {  	_ =	task.clear_ibuf [dreg:s7], $0x6FFFF;
	_ =	strace $0x90000049  }
0xb3: {  	s29 =	simm.s32 $0x9;
	_ =	strace $0x8000004B  }
0xb4: {  	_ =	swait.ge [sflag:s29], $0x1  }
0xb5: {  	[sflag:s29] =	ssyncadd.s32 $0xFFFFFFFF  }
0xb6: {  	_ =	strace $0x9000004B  }
0xb7: {  	_ =	sfence  }
0xb8: {  	s30 =	sld [smem:$0x0];
	_ =	sdelay $0x2  }
0xb9: {  	s31 =	sshll.u32 s1, $0xD;
	s1 =	sshrl.u32 s1, $0x2  }
0xba: {  	s3 =	sand.u32 $0x4000, s31;
	s1 =	sadd.s32 s1, s30  }
0xbb: {  	s0 =	sor.u32 s3, s0;
	s1 =	sshll.u32 s1, $0x11  }
0xbc: {  	s0 =	sor.u32 s1, s0  }
0xbd: {  	s0 =	sadd.s32 $0x8F2B, s0  }
0xbe: {  	[sflag:s0] =	ssyncadd.remote.s32 $0x1  }
0xbf: {  	_ =	sfence.sel $0xFFFF  }
0xc0: {  	[dreg:$0x0] =	wrdreg $0xFFFFFFFF;
	(pc) =	sbr.abs _section_cstart, $3  }
0xc1: {  	[dreg:$0x1] =	wrdreg $0xFFFFFFFF  }
0xc2: {  	_ =	task.clear_ibuf [dreg:s7], $0x2FFFF;
	_ =	strace $0x9FFFFFFF  }
0xc3: {  	(tm) =	ssettm $0x7FFFFFFF  }
tec
execute0_lowered:
.L_overlay_start_1:
0x0: {  	(tag) =	ssettag $0x1  }
0x1: {  	s2 =	rddreg [dreg:$0x0]  }
0x2: {  	s5 =	rddreg [dreg:$0x1]  }
0x3: {  	s3 =	rddreg [dreg:$0x2]  }
0x4: {  	s0 =	rddreg [dreg:$0x3]  }
0x5: {  	s1 =	stileid.u32;
	s6 =	srdreg.scid;
	s4 =	simm.s32 $0x0  }
0x6: {  	s15 =	simm.s32 $0x13C00;
	s16 =	simm.s32 $0x15000;
	s17 =	simm.s32 $0x80  }
0x7: {  	s18 =	simm.s32 $0x16400;
	s19 =	simm.s32 $0x1A400;
	s20 =	simm.s32 $0x1  }
0x8: {  	s21 =	simm.s32 $0x2;
	s22 =	simm.s32 $0x14F80;
	s23 =	simm.s32 $0x16300  }
0x9: {  	s24 =	simm.s32 $0x16380;
	s25 =	simm.s32 $0x0;
	s7 =	smul.u32 $0x13C00, s1  }
0xa: {  	s6 =	sand.u32 $0x1, s6;
	[smem:$0x7FF] =	sst s4;
	s11 =	sadd.s32 $0x1C00, s5  }
0xb: {  	s12 =	sadd.s32 $0xBC00, s5;
	s10 =	smul.u32 $0x4F000, s1;
	s13 =	sshll.u32 s1, $0x2  }
0xc: {  	s31 =	sshll.u32 s1, $0x6;
	s8 =	smul.u32 $0x13C000, s6;
	_ =	strace $0x8000004A  }
0xd: {  	s29 =	ssub.s32 $0x2, s6;
	s6 =	sshll.u32 s6, $0x1;
	s9 =	sshrl.u32 s7, $0x3  }
0xe: {  	s30 =	sshrl.u32 s29, $0x1;
	s10 =	sshrl.u32 s10, $0x2;
	s6 =	sor.u32 s6, s13  }
0xf: {  	s7 =	sadd.s32 s7, s8;
	s9 =	sadd.s32 s9, s5;
	s8 =	ssub.s32 s29, s30  }
0x10: {  	s14 =	sadd.s32 s10, s3;
	s13 =	smul.u32 $0x280, s6;
	s7 =	sshrl.u32 s7, $0x3  }
0x11: {  	s6 =	sor.u32 $0x1C03, s31;
	s7 =	sadd.s32 s7, s5;
	s5 =	sadd.s32 $0x15C00, s9  }
0x12: {  	s9 =	sadd.s32 s11, s13;
	s10 =	sadd.s32 s12, s13;
	s13 =	sadd.s32 $0x280, s13  }
0x13: {  	s8 =	smax.u32 s8, $0x1;
	s7 =	sadd.s32 $0x3D400, s7;
	s11 =	sadd.s32 s11, s13  }
0x14: {  	s12 =	sadd.s32 s12, s13;
	s13 =	sshrl.u32 s14, $0x3;
	s14 =	simm.s32 $0x3  }
.LBB2_1:
0x15: {  	[spmem:s13], [sflag:s6] =	dma.local [hbm:s5], $0x2780  }
0x16: {  	_ =	swait.ge [sflag:s14], $0x2780  }
0x17: {  	[sflag:s14] =	ssyncset.done $0x0  }
0x18: {  	[sflag:s14] =	ssyncadd.s32 $0xFFFFD880  }
0x19: {  	[bflag:$0x0] =	sbarrier.arrive $0xFFFF  }
0x1a: {  	[tilespmem:s15], [sflag:$0x3] =	stream.linear.gather [hbm4b:s9+s4], $0x1400, $0x38;
	[tilespmem:$0x1E400] =	vst v63  }
0x1b: {  	_ =	swait.ge [sflag:s14], $0x1400  }
0x1c: {  	[sflag:s14] =	ssyncset.done $0x0  }
0x1d: {  	[sflag:s14] =	ssyncadd.s32 $0xFFFFEC00  }
0x1e: {  	[tilespmem:s16], [sflag:$0x3] =	stream.linear.gather [hbm4b:s10+s4], $0x1400, $0x38;
	[tilespmem:$0x1E400] =	vst v63  }
0x1f: {  	_ =	swait.ge [sflag:s14], $0x1400  }
0x20: {  	[sflag:s14] =	ssyncset.done $0x0  }
0x21: {  	[sflag:s14] =	ssyncadd.s32 $0xFFFFEC00  }
0x22: {  	[tilespmem:s18], [sflag:$0x1] =	stream.indirect.gather [hbm4b:s2+s17], $0x80, s15, s17, $0xb8;
	[tilespmem:$0x1E400] =	vst v63  }
0x23: {  	s26 =	simm.s32 $0x13C80  }
0x24: {  	[tilespmem:s19], [sflag:$0x2] =	stream.indirect.gather [hbm4b:s2+s17], $0x80, s26, s17, $0xb8;
	[tilespmem:$0x1E400] =	vst v63  }
0x25: {  	_ =	swait.ge [sflag:s20], $0x4000  }
0x26: {  	[sflag:s20] =	ssyncset.done $0x0  }
0x27: {  	s29 =	simm.s32 $0x15000;
	[sflag:s20] =	ssyncadd.s32 $0xFFFFC000  }
0x28: {  	[spmem:s3] =	stream.indirect.scatter.add.f32 [tilespmem:s18], [sflag:$0x3], $0x80, s29, s17, $0xb8;
	[tilespmem:$0x1E400] =	vst v63  }
0x29: {  	_ =	swait.ge [sflag:s14], $0x4000  }
0x2a: {  	[sflag:s14] =	ssyncset.done $0x0  }
0x2b: {  	s30 =	simm.s32 $0x13D00;
	[sflag:s14] =	ssyncadd.s32 $0xFFFFC000  }
0x2c: {  	[tilespmem:s18], [sflag:$0x1] =	stream.indirect.gather [hbm4b:s2+s17], $0x80, s30, s17, $0xb8;
	[tilespmem:$0x1E400] =	vst v63  }
0x2d: {  	_ =	swait.ge [sflag:s21], $0x4000  }
0x2e: {  	[sflag:s21] =	ssyncset.done $0x0  }
0x2f: {  	s31 =	simm.s32 $0x15080;
	[sflag:s21] =	ssyncadd.s32 $0xFFFFC000  }
0x30: {  	[spmem:s3] =	stream.indirect.scatter.add.f32 [tilespmem:s19], [sflag:$0x3], $0x80, s31, s17, $0xb8;
	[tilespmem:$0x1E400] =	vst v63  }
0x31: {  	_ =	swait.ge [sflag:s14], $0x4000  }
0x32: {  	s28 =	simm.s32 $0x800;
	s26 =	simm.s32 $0x100;
	[sflag:s14] =	ssyncset.done $0x0  }
.LBB2_2:
0x33: {  	s29 =	sadd.s32 $0x13C80, s26  }
0x34: {  	[sflag:s14] =	ssyncadd.s32 $0xFFFFC000;
	s30 =	smov.u32 s28;
	s31 =	sadd.s32 $0x400, s28  }
0x35: {  	[tilespmem:s19], [sflag:$0x2] =	stream.indirect.gather [hbm4b:s2+s17], $0x80, s29, s17, $0xb8;
	[tilespmem:$0x1E400] =	vst v63  }
0x36: {  	p0 =	sne.s32 s28, $0x4800;
	_ =	swait.ge [sflag:s20], $0x4000  }
0x37: {  	[sflag:s20] =	ssyncset.done $0x0  }
0x38: {  	s28 =	sadd.s32 $0x15000, s26;
	[sflag:s20] =	ssyncadd.s32 $0xFFFFC000  }
0x39: {  	[spmem:s3] =	stream.indirect.scatter.add.f32 [tilespmem:s18], [sflag:$0x3], $0x80, s28, s17, $0xb8;
	[tilespmem:$0x1E400] =	vst v63  }
0x3a: {  	_ =	swait.ge [sflag:s14], $0x4000  }
0x3b: {  	[sflag:s14] =	ssyncset.done $0x0  }
0x3c: {  	s28 =	sadd.s32 $0x13D00, s26;
	[sflag:s14] =	ssyncadd.s32 $0xFFFFC000  }
0x3d: {  	[tilespmem:s18], [sflag:$0x1] =	stream.indirect.gather [hbm4b:s2+s17], $0x80, s28, s17, $0xb8;
	[tilespmem:$0x1E400] =	vst v63  }
0x3e: {  	_ =	swait.ge [sflag:s21], $0x4000  }
.Ltmp0:
0x3f: {  	[sflag:s21] =	ssyncset.done $0x0;
	(pc) =	sbr.rel @p0 .LBB2_2-.Ltmp0, $4  }
0x40: {  	s26 =	sadd.s32 $0x15080, s26;
	[sflag:s21] =	ssyncadd.s32 $0xFFFFC000  }
0x41: {  	[spmem:s3] =	stream.indirect.scatter.add.f32 [tilespmem:s19], [sflag:$0x3], $0x80, s26, s17, $0xb8;
	[tilespmem:$0x1E400] =	vst v63  }
0x42: {  	_ =	swait.ge [sflag:s14], $0x4000  }
0x43: {  	s28 =	smov.u32 s31;
	s26 =	sshra.s32 s30, $0x2;
	[sflag:s14] =	ssyncset.done $0x0  }
0x44: {  	s28 =	sadd.s32 $0x13C80, s26;
	[sflag:s14] =	ssyncadd.s32 $0xFFFFC000  }
0x45: {  	[tilespmem:s19], [sflag:$0x2] =	stream.indirect.gather [hbm4b:s2+s17], $0x80, s28, s17, $0xb8;
	[tilespmem:$0x1E400] =	vst v63  }
0x46: {  	_ =	swait.ge [sflag:s20], $0x4000  }
0x47: {  	[sflag:s20] =	ssyncset.done $0x0  }
0x48: {  	s28 =	sadd.s32 $0x15000, s26;
	[sflag:s20] =	ssyncadd.s32 $0xFFFFC000  }
0x49: {  	[spmem:s3] =	stream.indirect.scatter.add.f32 [tilespmem:s18], [sflag:$0x3], $0x80, s28, s17, $0xb8;
	[tilespmem:$0x1E400] =	vst v63  }
0x4a: {  	_ =	swait.ge [sflag:s14], $0x4000  }
0x4b: {  	[sflag:s14] =	ssyncset.done $0x0  }
0x4c: {  	s28 =	sadd.s32 $0x13D00, s26;
	[sflag:s14] =	ssyncadd.s32 $0xFFFFC000  }
0x4d: {  	[tilespmem:s18], [sflag:$0x1] =	stream.indirect.gather [hbm4b:s2+s17], $0x80, s28, s17, $0xb8;
	[tilespmem:$0x1E400] =	vst v63  }
0x4e: {  	_ =	swait.ge [sflag:s21], $0x4000  }
0x4f: {  	[sflag:s21] =	ssyncset.done $0x0  }
0x50: {  	s29 =	sadd.s32 $0x15080, s26;
	[sflag:s21] =	ssyncadd.s32 $0xFFFFC000  }
0x51: {  	[spmem:s3] =	stream.indirect.scatter.add.f32 [tilespmem:s19], [sflag:$0x3], $0x80, s29, s17, $0xb8;
	[tilespmem:$0x1E400] =	vst v63  }
0x52: {  	_ =	swait.ge [sflag:s14], $0x4000  }
0x53: {  	[sflag:s14] =	ssyncset.done $0x0  }
0x54: {  	[sflag:s14] =	ssyncadd.s32 $0xFFFFC000  }
0x55: {  	[tilespmem:s19], [sflag:$0x2] =	stream.indirect.gather [hbm4b:s2+s17], $0x80, s22, s17, $0xb8;
	[tilespmem:$0x1E400] =	vst v63  }
0x56: {  	_ =	swait.ge [sflag:s20], $0x4000  }
0x57: {  	[sflag:s20] =	ssyncset.done $0x0  }
0x58: {  	[sflag:s20] =	ssyncadd.s32 $0xFFFFC000  }
0x59: {  	[spmem:s3] =	stream.indirect.scatter.add.f32 [tilespmem:s18], [sflag:$0x3], $0x80, s23, s17, $0xb8;
	[tilespmem:$0x1E400] =	vst v63  }
0x5a: {  	_ =	swait.ge [sflag:s14], $0x4000  }
0x5b: {  	[sflag:s14] =	ssyncset.done $0x0  }
0x5c: {  	[sflag:s14] =	ssyncadd.s32 $0xFFFFC000  }
0x5d: {  	_ =	swait.ge [sflag:s21], $0x4000  }
0x5e: {  	[sflag:s21] =	ssyncset.done $0x0  }
0x5f: {  	[sflag:s21] =	ssyncadd.s32 $0xFFFFC000  }
0x60: {  	[spmem:s3] =	stream.indirect.scatter.add.f32 [tilespmem:s19], [sflag:$0x3], $0x80, s24, s17, $0xb8;
	[tilespmem:$0x1E400] =	vst v63  }
0x61: {  	_ =	swait.ge [sflag:s14], $0x4000  }
0x62: {  	[sflag:s14] =	ssyncset.done $0x0  }
0x63: {  	s30 =	simm.s32 $0x0;
	[sflag:s14] =	ssyncadd.s32 $0xFFFFC000  }
0x64: {  	[tilespmem:s15], [sflag:$0x3] =	stream.linear.gather [hbm4b:s11+s30], $0x1400, $0x38;
	[tilespmem:$0x1E400] =	vst v63  }
0x65: {  	_ =	swait.ge [sflag:s14], $0x1400  }
0x66: {  	[sflag:s14] =	ssyncset.done $0x0  }
0x67: {  	[sflag:s14] =	ssyncadd.s32 $0xFFFFEC00  }
0x68: {  	[tilespmem:s16], [sflag:$0x3] =	stream.linear.gather [hbm4b:s12+s30], $0x1400, $0x38;
	[tilespmem:$0x1E400] =	vst v63  }
0x69: {  	_ =	swait.ge [sflag:s14], $0x1400  }
0x6a: {  	[sflag:s14] =	ssyncset.done $0x0  }
0x6b: {  	[sflag:s14] =	ssyncadd.s32 $0xFFFFEC00  }
0x6c: {  	[tilespmem:s18], [sflag:$0x1] =	stream.indirect.gather [hbm4b:s2+s17], $0x80, s15, s17, $0xb8;
	[tilespmem:$0x1E400] =	vst v63  }
0x6d: {  	s31 =	simm.s32 $0x13C80  }
0x6e: {  	[tilespmem:s19], [sflag:$0x2] =	stream.indirect.gather [hbm4b:s2+s17], $0x80, s31, s17, $0xb8;
	[tilespmem:$0x1E400] =	vst v63  }
0x6f: {  	_ =	swait.ge [sflag:s20], $0x4000  }
0x70: {  	[sflag:s20] =	ssyncset.done $0x0  }
0x71: {  	s29 =	simm.s32 $0x15000;
	[sflag:s20] =	ssyncadd.s32 $0xFFFFC000  }
0x72: {  	[spmem:s3] =	stream.indirect.scatter.add.f32 [tilespmem:s18], [sflag:$0x3], $0x80, s29, s17, $0xb8;
	[tilespmem:$0x1E400] =	vst v63  }
0x73: {  	_ =	swait.ge [sflag:s14], $0x4000  }
0x74: {  	[sflag:s14] =	ssyncset.done $0x0  }
0x75: {  	s30 =	simm.s32 $0x13D00;
	[sflag:s14] =	ssyncadd.s32 $0xFFFFC000  }
0x76: {  	[tilespmem:s18], [sflag:$0x1] =	stream.indirect.gather [hbm4b:s2+s17], $0x80, s30, s17, $0xb8;
	[tilespmem:$0x1E400] =	vst v63  }
0x77: {  	_ =	swait.ge [sflag:s21], $0x4000  }
0x78: {  	[sflag:s21] =	ssyncset.done $0x0  }
0x79: {  	s31 =	simm.s32 $0x15080;
	[sflag:s21] =	ssyncadd.s32 $0xFFFFC000  }
0x7a: {  	[spmem:s3] =	stream.indirect.scatter.add.f32 [tilespmem:s19], [sflag:$0x3], $0x80, s31, s17, $0xb8;
	[tilespmem:$0x1E400] =	vst v63  }
0x7b: {  	_ =	swait.ge [sflag:s14], $0x4000  }
0x7c: {  	s26 =	simm.s32 $0x100;
	s28 =	simm.s32 $0x800;
	[sflag:s14] =	ssyncset.done $0x0  }
.LBB2_4:
0x7d: {  	s29 =	sadd.s32 $0x13C80, s26  }
0x7e: {  	[sflag:s14] =	ssyncadd.s32 $0xFFFFC000;
	s30 =	smov.u32 s28;
	s31 =	sadd.s32 $0x400, s28  }
0x7f: {  	[tilespmem:s19], [sflag:$0x2] =	stream.indirect.gather [hbm4b:s2+s17], $0x80, s29, s17, $0xb8;
	[tilespmem:$0x1E400] =	vst v63  }
0x80: {  	p0 =	sne.s32 s28, $0x4800;
	_ =	swait.ge [sflag:s20], $0x4000  }
0x81: {  	[sflag:s20] =	ssyncset.done $0x0  }
0x82: {  	s28 =	sadd.s32 $0x15000, s26;
	[sflag:s20] =	ssyncadd.s32 $0xFFFFC000  }
0x83: {  	[spmem:s3] =	stream.indirect.scatter.add.f32 [tilespmem:s18], [sflag:$0x3], $0x80, s28, s17, $0xb8;
	[tilespmem:$0x1E400] =	vst v63  }
0x84: {  	_ =	swait.ge [sflag:s14], $0x4000  }
0x85: {  	[sflag:s14] =	ssyncset.done $0x0  }
0x86: {  	s28 =	sadd.s32 $0x13D00, s26;
	[sflag:s14] =	ssyncadd.s32 $0xFFFFC000  }
0x87: {  	[tilespmem:s18], [sflag:$0x1] =	stream.indirect.gather [hbm4b:s2+s17], $0x80, s28, s17, $0xb8;
	[tilespmem:$0x1E400] =	vst v63  }
0x88: {  	_ =	swait.ge [sflag:s21], $0x4000  }
.Ltmp1:
0x89: {  	[sflag:s21] =	ssyncset.done $0x0;
	(pc) =	sbr.rel @p0 .LBB2_4-.Ltmp1, $4  }
0x8a: {  	s26 =	sadd.s32 $0x15080, s26;
	[sflag:s21] =	ssyncadd.s32 $0xFFFFC000  }
0x8b: {  	[spmem:s3] =	stream.indirect.scatter.add.f32 [tilespmem:s19], [sflag:$0x3], $0x80, s26, s17, $0xb8;
	[tilespmem:$0x1E400] =	vst v63  }
0x8c: {  	_ =	swait.ge [sflag:s14], $0x4000  }
0x8d: {  	s28 =	smov.u32 s31;
	s26 =	sshra.s32 s30, $0x2;
	[sflag:s14] =	ssyncset.done $0x0  }
0x8e: {  	s28 =	sadd.s32 $0x13C80, s26;
	[sflag:s14] =	ssyncadd.s32 $0xFFFFC000  }
0x8f: {  	[tilespmem:s19], [sflag:$0x2] =	stream.indirect.gather [hbm4b:s2+s17], $0x80, s28, s17, $0xb8;
	[tilespmem:$0x1E400] =	vst v63  }
0x90: {  	_ =	swait.ge [sflag:s20], $0x4000  }
0x91: {  	[sflag:s20] =	ssyncset.done $0x0  }
0x92: {  	s29 =	sadd.s32 $0x15000, s26;
	[sflag:s20] =	ssyncadd.s32 $0xFFFFC000  }
0x93: {  	[spmem:s3] =	stream.indirect.scatter.add.f32 [tilespmem:s18], [sflag:$0x3], $0x80, s29, s17, $0xb8;
	[tilespmem:$0x1E400] =	vst v63  }
0x94: {  	_ =	swait.ge [sflag:s14], $0x4000  }
0x95: {  	[sflag:s14] =	ssyncset.done $0x0  }
0x96: {  	s30 =	sadd.s32 $0x13D00, s26;
	[sflag:s14] =	ssyncadd.s32 $0xFFFFC000  }
0x97: {  	[tilespmem:s18], [sflag:$0x1] =	stream.indirect.gather [hbm4b:s2+s17], $0x80, s30, s17, $0xb8;
	[tilespmem:$0x1E400] =	vst v63  }
0x98: {  	_ =	swait.ge [sflag:s21], $0x4000  }
0x99: {  	[sflag:s21] =	ssyncset.done $0x0  }
0x9a: {  	s31 =	sadd.s32 $0x15080, s26;
	[sflag:s21] =	ssyncadd.s32 $0xFFFFC000  }
0x9b: {  	[spmem:s3] =	stream.indirect.scatter.add.f32 [tilespmem:s19], [sflag:$0x3], $0x80, s31, s17, $0xb8;
	[tilespmem:$0x1E400] =	vst v63  }
0x9c: {  	_ =	swait.ge [sflag:s14], $0x4000  }
0x9d: {  	[sflag:s14] =	ssyncset.done $0x0  }
0x9e: {  	[sflag:s14] =	ssyncadd.s32 $0xFFFFC000  }
0x9f: {  	[tilespmem:s19], [sflag:$0x2] =	stream.indirect.gather [hbm4b:s2+s17], $0x80, s22, s17, $0xb8;
	[tilespmem:$0x1E400] =	vst v63  }
0xa0: {  	_ =	swait.ge [sflag:s20], $0x4000  }
0xa1: {  	[sflag:s20] =	ssyncset.done $0x0  }
0xa2: {  	[sflag:s20] =	ssyncadd.s32 $0xFFFFC000  }
0xa3: {  	[spmem:s3] =	stream.indirect.scatter.add.f32 [tilespmem:s18], [sflag:$0x3], $0x80, s23, s17, $0xb8;
	[tilespmem:$0x1E400] =	vst v63  }
0xa4: {  	_ =	swait.ge [sflag:s14], $0x4000  }
0xa5: {  	[sflag:s14] =	ssyncset.done $0x0  }
0xa6: {  	[sflag:s14] =	ssyncadd.s32 $0xFFFFC000  }
0xa7: {  	_ =	swait.ge [sflag:s21], $0x4000  }
0xa8: {  	[sflag:s21] =	ssyncset.done $0x0  }
0xa9: {  	[sflag:s21] =	ssyncadd.s32 $0xFFFFC000  }
0xaa: {  	[spmem:s3] =	stream.indirect.scatter.add.f32 [tilespmem:s19], [sflag:$0x3], $0x80, s24, s17, $0xb8;
	[tilespmem:$0x1E400] =	vst v63  }
0xab: {  	_ =	swait.ge [sflag:s14], $0x4000  }
0xac: {  	s25 =	sadd.s32 $0x1, s25;
	[sflag:s14] =	ssyncset.done $0x0  }
0xad: {  	p0 =	sne.s32 s25, s8;
	[sflag:s14] =	ssyncadd.s32 $0xFFFFC000  }
.Ltmp2:
0xae: {  	[bflag:$0x0] =	sbarrier.arrive $0xFFFF;
	(pc) =	sbr.rel @p0 .LBB2_1-.Ltmp2, $4  }
0xaf: {  	[hbm:s7], [sflag:s6] =	dma.local [spmem:s13], $0x2780  }
0xb0: {  	_ =	swait.ge [sflag:s14], $0x2780  }
0xb1: {  	[sflag:s14] =	ssyncset.done $0x0  }
0xb2: {  	[sflag:s14] =	ssyncadd.s32 $0xFFFFD880  }
0xb3: {  	_ =	sfence.sel $0x180000  }
0xb4: {  	[bflag:$0x0] =	sbarrier.arrive $0xFFFF  }
0xb5: {  	p0 =	sne.s32 s1, $0x0;
	_ =	strace $0x9000004A  }
0xb6: {  	s0 =	sadd.s32 @!p0 $0x100000, s0;
	[bflag:$0x2] =	sbarrier.arrive $0xFFFF  }
0xb7: {  	[sflag:s0] =	ssyncadd.tile.s32 @!p0 $0x1;
	_ =	shalt  }
.Lfunc_end2:
_tile_overlayer_lowered:
.L_overlay_start_2:
0xb8: {  	(tag) =	ssettag $0x2  }
0xb9: {  	s0 =	rddreg [dreg:$0x0];
	s2 =	stileid.u32  }
0xba: {  	s1 =	rddreg [dreg:$0x1];
	p0 =	sne.s32 s2, $0x0  }
0xbb: {  	s3 =	rddreg [dreg:$0x2];
	[bflag:$0x3] =	sbarrier.arrive $0xFFFF;
	s2 =	simm.s32 @!p0 $0x1C03  }
0xbc: {  	[timem:s3], [sflag:s2] =	dma.local @!p0 [hbm:s0], s1  }
0xbd: {  	s0 =	simm.s32 @!p0 $0x3  }
0xbe: {  	_ =	swait.ge @!p0 [sflag:s0], s1  }
0xbf: {  	s1 =	ssub.s32 @!p0 $0x0, s1;
	[sflag:s0] =	ssyncset.done @!p0 $0x0  }
0xc0: {  	[sflag:s0] =	ssyncadd.s32 @!p0 s1  }
0xc1: {  	[bflag:$0x3] =	sbarrier.arrive $0xFFFF  }
0xc2: {  	_ =	shalt  }

// kernel: kernel.7.cloned.1.call-start
scs
__scs_entry_jumppad:
0x0: {  	(pc) =	sbr.rel $0x88, $3  }
0x1: {  	(tag) =	ssettag $0x0;
	lr =	simm.s32 $0x1  }
0x2: {  	[smem:$0x3F99] =	sst lr;
	_ =	strace $0xD0000000  }
0x3: {  	_ = 	snop  }
0x4: {  	_ = 	snop  }
0x5: {  	_ = 	snop  }
0x6: {  	_ = 	snop  }
0x7: {  	_ = 	snop  }
__scs_overlays_trampoline_lowered:
0x8: {  	[smem:$0x3FA8] =	sst s0  }
0x9: {  	[smem:$0x3FA9] =	sst s1  }
0xa: {  	[smem:$0x3FAA] =	sst s2  }
0xb: {  	[smem:$0x3FAB] =	sst s3  }
0xc: {  	[smem:$0x3FAC] =	sst s4  }
0xd: {  	[smem:$0x3FAD] =	sst s5  }
0xe: {  	[smem:$0x3FAE] =	sst s6  }
0xf: {  	[smem:$0x3FAF] =	sst s7  }
0x10: {  	[smem:$0x3FB0] =	sst s8  }
0x11: {  	[smem:$0x3FB1] =	sst s9;
	s0 =	simm.s32 @!p0 $0x0  }
0x12: {  	s1 =	sld [smem:$0x3F97];
	s0 =	simm.s32 @p0 $0x1  }
0x13: {  	[smem:$0x3FB2] =	sst s0;
	s0 =	simm.s32 @!p1 $0x0  }
0x14: {  	s2 =	sld [smem:$0x3F96];
	s0 =	simm.s32 @p1 $0x1  }
0x15: {  	[smem:$0x3FB3] =	sst s0;
	s0 =	simm.s32 @!p2 $0x0  }
0x16: {  	s3 =	sld [smem:$0x3FDB];
	s0 =	simm.s32 @p2 $0x1  }
0x17: {  	s4 =	simm.s32 $0x1BF5;
	[smem:$0x3FB5] =	sst s0  }
0x18: {  	s0 =	sld [smem:$0x3F98];
	_ =	swait.ge [sflag:s4], $0x0  }
0x19: {  	s7 =	sld [smem:$0x3F99]  }
0x1a: {  	s8 =	sadd.s32 $0xFFFFE003, lr  }
0x1b: {  	s9 =	sadd.s32 $0xFFFFFEF7, lr;
	s5 =	simm.s32 $0xFFFFFFFF;
	p2 =	slt.u32 s8, $0xFFFFF086  }
0x1c: {  	p1 =	slt.u32 s9, $0xF7A;
	s5 =	simm.s32 @!p2 $0x0  }
0x1d: {  	s5 =	simm.s32 @p1 $0x1;
	p0 =	seq.s32 s7, s2  }
0x1e: {  	s7 =	smul.u32 @!p0 $0xF7A, s2;
	p2 =	seq.s32 @!p0 s5, $0x0  }
0x1f: {  	s9 =	smul.u32 $0xF7A, s1;
	s8 =	simm.s32 @!p0 $0x1BF5;
	p2 =	por !p2, p0  }
0x20: {  	[sflag:s8] =	ssyncset.s32 @!p0 $0xFFFFF086;
	s6 =	sadd.s32 @!p0 s3, s7;
	s7 =	simm.s32 @!p0 $0x108  }
0x21: {  	s3 =	sadd.s32 s3, s9;
	s6 =	sadd.s32 @!p0 $0x88, s6;
	s7 =	simm.s32 @p2 $0x1082  }
0x22: {  	[simem:s7], [sflag:s8] =	dma.local @!p0 [hbm:s6], $0xF7A  }
0x23: {  	s9 =	sor.u32 $0xD0000000, s2;
	s6 =	simm.s32 $0x108;
	_ =	swait.ge @!p0 [sflag:s8], $0x0  }
0x24: {  	s3 =	sadd.s32 $0x88, s3;
	s6 =	simm.s32 @!p1 $0x1082;
	[sflag:s4] =	ssyncset.s32 $0xFFFFF086  }
0x25: {  	[simem:s6], [sflag:s4] =	dma.local [hbm:s3], $0xF7A  }
0x26: {  	[smem:$0x3F99] =	sst s1;
	(tag) =	ssettag s2;
	_ =	strace s9  }
0x27: {  	s1 =	sld [smem:$0x3FA9]  }
0x28: {  	s2 =	sld [smem:$0x3FAA]  }
0x29: {  	s4 =	sld [smem:$0x3FAC]  }
0x2a: {  	p0 =	seq.s32 s5, $0x0;
	s5 =	sld [smem:$0x3FAD]  }
0x2b: {  	s6 =	sld [smem:$0x3FAE]  }
0x2c: {  	s7 =	sld [smem:$0x3FAF]  }
0x2d: {  	s3 =	simm.s32 $0x108;
	s8 =	sld [smem:$0x3FB0]  }
0x2e: {  	s3 =	simm.s32 @!p0 $0x1082;
	s9 =	sld [smem:$0x3FB1]  }
0x2f: {  	lr =	sadd.s32 s0, s3;
	s0 =	sld [smem:$0x3FA8]  }
0x30: {  	s3 =	sld [smem:$0x3FAB]  }
0x31: {  	[smem:$0x3FB4] =	sst s10  }
0x32: {  	s10 =	sld [smem:$0x3FB2];
	_ =	sdelay $0x3  }
0x33: {  	p0 =	seq.s32 s10, $0x1;
	s10 =	sld [smem:$0x3FB4];
	_ =	sdelay $0x3  }
0x34: {  	[smem:$0x3FB4] =	sst s10  }
0x35: {  	s10 =	sld [smem:$0x3FB3];
	_ =	sdelay $0x3  }
0x36: {  	p1 =	seq.s32 s10, $0x1;
	s10 =	sld [smem:$0x3FB4];
	_ =	sdelay $0x3  }
0x37: {  	[smem:$0x3FB4] =	sst s10  }
0x38: {  	s10 =	sld [smem:$0x3FB5]  }
0x39: {  	_ = 	snop;
	(pc) =	sbr.ind lr, $3  }
0x3a: {  	_ = 	snop  }
0x3b: {  	_ = 	snop  }
0x3c: {  	p2 =	seq.s32 s10, $0x1;
	s10 =	sld [smem:$0x3FB4]  }
0x3d: {  	_ =	shalt  }
0x3e: {  	_ =	shalt  }
0x3f: {  	_ =	shalt  }
0x40: {  	_ =	shalt  }
0x41: {  	_ =	shalt  }
0x42: {  	_ =	shalt  }
0x43: {  	_ =	shalt  }
0x44: {  	_ =	shalt  }
0x45: {  	_ =	shalt  }
0x46: {  	_ =	shalt  }
0x47: {  	_ =	shalt  }
0x48: {  	_ =	shalt  }
0x49: {  	_ =	shalt  }
0x4a: {  	_ =	shalt  }
0x4b: {  	_ =	shalt  }
0x4c: {  	_ =	shalt  }
0x4d: {  	_ =	shalt  }
0x4e: {  	_ =	shalt  }
0x4f: {  	_ =	shalt  }
0x50: {  	_ =	shalt  }
0x51: {  	_ =	shalt  }
0x52: {  	_ =	shalt  }
0x53: {  	_ =	shalt  }
0x54: {  	_ =	shalt  }
0x55: {  	_ =	shalt  }
0x56: {  	_ =	shalt  }
0x57: {  	_ =	shalt  }
0x58: {  	_ =	shalt  }
0x59: {  	_ =	shalt  }
0x5a: {  	_ =	shalt  }
0x5b: {  	_ =	shalt  }
0x5c: {  	_ =	shalt  }
0x5d: {  	_ =	shalt  }
0x5e: {  	_ =	shalt  }
0x5f: {  	_ =	shalt  }
0x60: {  	_ =	shalt  }
0x61: {  	_ =	shalt  }
0x62: {  	_ =	shalt  }
0x63: {  	_ =	shalt  }
0x64: {  	_ =	shalt  }
0x65: {  	_ =	shalt  }
0x66: {  	_ =	shalt  }
0x67: {  	_ =	shalt  }
0x68: {  	_ =	shalt  }
0x69: {  	_ =	shalt  }
0x6a: {  	_ =	shalt  }
0x6b: {  	_ =	shalt  }
0x6c: {  	_ =	shalt  }
0x6d: {  	_ =	shalt  }
0x6e: {  	_ =	shalt  }
0x6f: {  	_ =	shalt  }
0x70: {  	_ =	shalt  }
0x71: {  	_ =	shalt  }
0x72: {  	_ =	shalt  }
0x73: {  	_ =	shalt  }
0x74: {  	_ =	shalt  }
0x75: {  	_ =	shalt  }
0x76: {  	_ =	shalt  }
0x77: {  	_ =	shalt  }
0x78: {  	_ =	shalt  }
0x79: {  	_ =	shalt  }
0x7a: {  	_ =	shalt  }
0x7b: {  	_ =	shalt  }
0x7c: {  	_ =	shalt  }
0x7d: {  	_ =	shalt  }
0x7e: {  	_ =	shalt  }
0x7f: {  	_ =	shalt  }
0x80: {  	_ =	shalt  }
0x81: {  	_ =	shalt  }
0x82: {  	_ =	shalt  }
0x83: {  	_ =	shalt  }
0x84: {  	_ =	shalt  }
0x85: {  	_ =	shalt  }
0x86: {  	_ =	shalt  }
0x87: {  	_ =	shalt  }
.Lfunc_end0:
.L_simem_size_0:
called_computation_lowered:
.L_overlay_start_0:
0x88: {  	s2 =	sld [smem:$0x3FD9]  }
0x89: {  	s3 =	sld [smem:$0x3FFE];
	_ =	sdelay $0x1  }
0x8a: {  	s1 =	srdreg.scid  }
0x8b: {  	s0 =	sand.u32 $0x1, s1  }
0x8c: {  	s17 =	sshll.u32 s0, $0xA;
	s2 =	sadd.s32 s3, s2  }
0x8d: {  	s2 =	sadd.s32 s2, s17  }
0x8e: {  	[smem:$0x3FC0] =	sst s2  }
0x8f: {  	_ = 	snop  }
0x90: {  	s2 =	sld [smem:$0x3FC9];
	(tm) =	ssettm $0x1  }
0x91: {  	s18 =	sld [smem:$0x3FFB];
	_ =	sdelay $0x3  }
0x92: {  	_ =	strace s18  }
0x93: {  	s3 =	sld [smem:$0x3FFC];
	_ =	sdelay $0x3  }
0x94: {  	_ =	strace s3  }
0x95: {  	s3 =	sld [smem:$0x3FFD];
	_ =	sdelay $0x3  }
0x96: {  	_ =	strace s3  }
0x97: {  	_ =	strace $0x8FFFFFFF  }
0x98: {  	s19 =	sld [smem:$0x3FDB];
	_ =	sdelay $0x1  }
0x99: {  	s4 =	simm.s32 $_scs_section_size  }
0x9a: {  	s5 =	simm.s32 $_size__tile_overlayer_lowered;
	s6 =	simm.s32 $_tile_overlayer_lowered  }
0x9b: {  	s22 =	simm.s32 $0x1BFF;
	s21 =	sshll.u32 s6, $0x1;
	s3 =	sadd.s32 s4, s19  }
0x9c: {  	s7 =	simm.s32 $0x0;
	s20 =	sshll.u32 s5, $0x1;
	s5 =	sadd.s32 s21, s3  }
0x9d: {  	[timem:s7], [sflag:s22] =	dma.local [hbm:s5], s20  }
0x9e: {  	_ =	swait.ge [sflag:s22], s20  }
0x9f: {  	s4 =	ssub.s32 $0x0, s20;
	[sflag:s22] =	ssyncset.done $0x0  }
0xa0: {  	[sflag:s22] =	ssyncadd.s32 s4;
	_ =	sdelay $0x1  }
0xa1: {  	s23 =	simm.s32 $0x1B8B  }
0xa2: {  	_ =	swait.ge [sflag:s23], $0x1  }
0xa3: {  	[sflag:s23] =	ssyncset.done $0x0  }
0xa4: {  	s25 =	simm.s32 $0x1B8E;
	s24 =	sld [smem:$0x3FFE];
	[sflag:s23] =	ssyncadd.s32 $0xFFFFFFFF  }
0xa5: {  	s26 =	simm.s32 $execute0_lowered;
	[smem:$0x3FD2] =	sst s25  }
0xa6: {  	s5 =	sshll.u32 s26, $0x1;
	_ =	strace $0x80000046;
	[dreg:$0x1] =	wrdreg $0xFFFFFFFF  }
0xa7: {  	s28 =	simm.s32 $_size_execute0_lowered;
	s3 =	sadd.s32 s3, s5;
	[dreg:$0x0] =	wrdreg $0x0  }
0xa8: {  	s5 =	sshll.u32 s28, $0x1;
	[dreg:$0x2] =	wrdreg s3  }
0xa9: {  	[dreg:$0x3] =	wrdreg s5  }
0xaa: {  	[dreg:$0x4] =	wrdreg $0xC0  }
0xab: {  	_ =	task [dreg:s7], $0x5FFFF  }
0xac: {  	[dreg:$0x1] =	wrdreg $0xFFFFFFFF  }
0xad: {  	[dreg:$0x0] =	wrdreg $0x60  }
0xae: {  	[dreg:$0x2] =	wrdreg s2  }
0xaf: {  	[dreg:$0x3] =	wrdreg s24  }
0xb0: {  	[dreg:$0x4] =	wrdreg $0x0  }
0xb1: {  	[dreg:$0x5] =	wrdreg $0x9  }
0xb2: {  	_ =	task.clear_ibuf [dreg:s7], $0x6FFFF;
	_ =	strace $0x90000046  }
0xb3: {  	s29 =	simm.s32 $0x9;
	_ =	strace $0x80000048  }
0xb4: {  	_ =	swait.ge [sflag:s29], $0x1  }
0xb5: {  	[sflag:s29] =	ssyncadd.s32 $0xFFFFFFFF  }
0xb6: {  	_ =	strace $0x90000048  }
0xb7: {  	_ =	sfence  }
0xb8: {  	s30 =	sld [smem:$0x0];
	_ =	sdelay $0x2  }
0xb9: {  	s31 =	sshll.u32 s1, $0xD;
	s1 =	sshrl.u32 s1, $0x2  }
0xba: {  	s3 =	sand.u32 $0x4000, s31;
	s1 =	sadd.s32 s1, s30  }
0xbb: {  	s0 =	sor.u32 s3, s0;
	s1 =	sshll.u32 s1, $0x11  }
0xbc: {  	s0 =	sor.u32 s1, s0  }
0xbd: {  	s0 =	sadd.s32 $0x8F2B, s0  }
0xbe: {  	[sflag:s0] =	ssyncadd.remote.s32 $0x1  }
0xbf: {  	_ =	sfence.sel $0xFFFF  }
0xc0: {  	[dreg:$0x0] =	wrdreg $0xFFFFFFFF;
	(pc) =	sbr.abs _section_cstart, $3  }
0xc1: {  	[dreg:$0x1] =	wrdreg $0xFFFFFFFF  }
0xc2: {  	_ =	task.clear_ibuf [dreg:s7], $0x2FFFF;
	_ =	strace $0x9FFFFFFF  }
0xc3: {  	(tm) =	ssettm $0x7FFFFFFF  }
tec
execute0_lowered:
.L_overlay_start_1:
0x0: {  	(tag) =	ssettag $0x1  }
0x1: {  	s2 =	rddreg [dreg:$0x0]  }
0x2: {  	s5 =	rddreg [dreg:$0x1]  }
0x3: {  	s3 =	rddreg [dreg:$0x2]  }
0x4: {  	s0 =	rddreg [dreg:$0x3]  }
0x5: {  	s1 =	stileid.u32;
	s6 =	srdreg.scid;
	s4 =	simm.s32 $0x0  }
0x6: {  	s15 =	simm.s32 $0x13C00;
	s16 =	simm.s32 $0x15000;
	s17 =	simm.s32 $0x80  }
0x7: {  	s18 =	simm.s32 $0x16400;
	s19 =	simm.s32 $0x1A400;
	s20 =	simm.s32 $0x1  }
0x8: {  	s21 =	simm.s32 $0x2;
	s22 =	simm.s32 $0x14F80;
	s23 =	simm.s32 $0x16300  }
0x9: {  	s24 =	simm.s32 $0x16380;
	s25 =	simm.s32 $0x0;
	s7 =	smul.u32 $0x13C00, s1  }
0xa: {  	s6 =	sand.u32 $0x1, s6;
	[smem:$0x7FF] =	sst s4;
	s11 =	sadd.s32 $0x1C00, s5  }
0xb: {  	s12 =	sadd.s32 $0xBC00, s5;
	s10 =	smul.u32 $0x4F000, s1;
	s13 =	sshll.u32 s1, $0x2  }
0xc: {  	s31 =	sshll.u32 s1, $0x6;
	s8 =	smul.u32 $0x13C000, s6;
	_ =	strace $0x80000047  }
0xd: {  	s29 =	ssub.s32 $0x2, s6;
	s6 =	sshll.u32 s6, $0x1;
	s9 =	sshrl.u32 s7, $0x3  }
0xe: {  	s30 =	sshrl.u32 s29, $0x1;
	s10 =	sshrl.u32 s10, $0x2;
	s6 =	sor.u32 s6, s13  }
0xf: {  	s7 =	sadd.s32 s7, s8;
	s9 =	sadd.s32 s9, s5;
	s8 =	ssub.s32 s29, s30  }
0x10: {  	s14 =	sadd.s32 s10, s3;
	s13 =	smul.u32 $0x280, s6;
	s7 =	sshrl.u32 s7, $0x3  }
0x11: {  	s6 =	sor.u32 $0x1C03, s31;
	s7 =	sadd.s32 s7, s5;
	s5 =	sadd.s32 $0x15C00, s9  }
0x12: {  	s9 =	sadd.s32 s11, s13;
	s10 =	sadd.s32 s12, s13;
	s13 =	sadd.s32 $0x280, s13  }
0x13: {  	s8 =	smax.u32 s8, $0x1;
	s7 =	sadd.s32 $0x3D400, s7;
	s11 =	sadd.s32 s11, s13  }
0x14: {  	s12 =	sadd.s32 s12, s13;
	s13 =	sshrl.u32 s14, $0x3;
	s14 =	simm.s32 $0x3  }
.LBB2_1:
0x15: {  	[spmem:s13], [sflag:s6] =	dma.local [hbm:s5], $0x2780  }
0x16: {  	_ =	swait.ge [sflag:s14], $0x2780  }
0x17: {  	[sflag:s14] =	ssyncset.done $0x0  }
0x18: {  	[sflag:s14] =	ssyncadd.s32 $0xFFFFD880  }
0x19: {  	[bflag:$0x0] =	sbarrier.arrive $0xFFFF  }
0x1a: {  	[tilespmem:s15], [sflag:$0x3] =	stream.linear.gather [hbm4b:s9+s4], $0x1400, $0x38;
	[tilespmem:$0x1E400] =	vst v63  }
0x1b: {  	_ =	swait.ge [sflag:s14], $0x1400  }
0x1c: {  	[sflag:s14] =	ssyncset.done $0x0  }
0x1d: {  	[sflag:s14] =	ssyncadd.s32 $0xFFFFEC00  }
0x1e: {  	[tilespmem:s16], [sflag:$0x3] =	stream.linear.gather [hbm4b:s10+s4], $0x1400, $0x38;
	[tilespmem:$0x1E400] =	vst v63  }
0x1f: {  	_ =	swait.ge [sflag:s14], $0x1400  }
0x20: {  	[sflag:s14] =	ssyncset.done $0x0  }
0x21: {  	[sflag:s14] =	ssyncadd.s32 $0xFFFFEC00  }
0x22: {  	[tilespmem:s18], [sflag:$0x1] =	stream.indirect.gather [hbm4b:s2+s17], $0x80, s15, s17, $0xb8;
	[tilespmem:$0x1E400] =	vst v63  }
0x23: {  	s26 =	simm.s32 $0x13C80  }
0x24: {  	[tilespmem:s19], [sflag:$0x2] =	stream.indirect.gather [hbm4b:s2+s17], $0x80, s26, s17, $0xb8;
	[tilespmem:$0x1E400] =	vst v63  }
0x25: {  	_ =	swait.ge [sflag:s20], $0x4000  }
0x26: {  	[sflag:s20] =	ssyncset.done $0x0  }
0x27: {  	s29 =	simm.s32 $0x15000;
	[sflag:s20] =	ssyncadd.s32 $0xFFFFC000  }
0x28: {  	[spmem:s3] =	stream.indirect.scatter.add.f32 [tilespmem:s18], [sflag:$0x3], $0x80, s29, s17, $0xb8;
	[tilespmem:$0x1E400] =	vst v63  }
0x29: {  	_ =	swait.ge [sflag:s14], $0x4000  }
0x2a: {  	[sflag:s14] =	ssyncset.done $0x0  }
0x2b: {  	s30 =	simm.s32 $0x13D00;
	[sflag:s14] =	ssyncadd.s32 $0xFFFFC000  }
0x2c: {  	[tilespmem:s18], [sflag:$0x1] =	stream.indirect.gather [hbm4b:s2+s17], $0x80, s30, s17, $0xb8;
	[tilespmem:$0x1E400] =	vst v63  }
0x2d: {  	_ =	swait.ge [sflag:s21], $0x4000  }
0x2e: {  	[sflag:s21] =	ssyncset.done $0x0  }
0x2f: {  	s31 =	simm.s32 $0x15080;
	[sflag:s21] =	ssyncadd.s32 $0xFFFFC000  }
0x30: {  	[spmem:s3] =	stream.indirect.scatter.add.f32 [tilespmem:s19], [sflag:$0x3], $0x80, s31, s17, $0xb8;
	[tilespmem:$0x1E400] =	vst v63  }
0x31: {  	_ =	swait.ge [sflag:s14], $0x4000  }
0x32: {  	s28 =	simm.s32 $0x800;
	s26 =	simm.s32 $0x100;
	[sflag:s14] =	ssyncset.done $0x0  }
.LBB2_2:
0x33: {  	s29 =	sadd.s32 $0x13C80, s26  }
0x34: {  	[sflag:s14] =	ssyncadd.s32 $0xFFFFC000;
	s30 =	smov.u32 s28;
	s31 =	sadd.s32 $0x400, s28  }
0x35: {  	[tilespmem:s19], [sflag:$0x2] =	stream.indirect.gather [hbm4b:s2+s17], $0x80, s29, s17, $0xb8;
	[tilespmem:$0x1E400] =	vst v63  }
0x36: {  	p0 =	sne.s32 s28, $0x4800;
	_ =	swait.ge [sflag:s20], $0x4000  }
0x37: {  	[sflag:s20] =	ssyncset.done $0x0  }
0x38: {  	s28 =	sadd.s32 $0x15000, s26;
	[sflag:s20] =	ssyncadd.s32 $0xFFFFC000  }
0x39: {  	[spmem:s3] =	stream.indirect.scatter.add.f32 [tilespmem:s18], [sflag:$0x3], $0x80, s28, s17, $0xb8;
	[tilespmem:$0x1E400] =	vst v63  }
0x3a: {  	_ =	swait.ge [sflag:s14], $0x4000  }
0x3b: {  	[sflag:s14] =	ssyncset.done $0x0  }
0x3c: {  	s28 =	sadd.s32 $0x13D00, s26;
	[sflag:s14] =	ssyncadd.s32 $0xFFFFC000  }
0x3d: {  	[tilespmem:s18], [sflag:$0x1] =	stream.indirect.gather [hbm4b:s2+s17], $0x80, s28, s17, $0xb8;
	[tilespmem:$0x1E400] =	vst v63  }
0x3e: {  	_ =	swait.ge [sflag:s21], $0x4000  }
.Ltmp0:
0x3f: {  	[sflag:s21] =	ssyncset.done $0x0;
	(pc) =	sbr.rel @p0 .LBB2_2-.Ltmp0, $4  }
0x40: {  	s26 =	sadd.s32 $0x15080, s26;
	[sflag:s21] =	ssyncadd.s32 $0xFFFFC000  }
0x41: {  	[spmem:s3] =	stream.indirect.scatter.add.f32 [tilespmem:s19], [sflag:$0x3], $0x80, s26, s17, $0xb8;
	[tilespmem:$0x1E400] =	vst v63  }
0x42: {  	_ =	swait.ge [sflag:s14], $0x4000  }
0x43: {  	s28 =	smov.u32 s31;
	s26 =	sshra.s32 s30, $0x2;
	[sflag:s14] =	ssyncset.done $0x0  }
0x44: {  	s28 =	sadd.s32 $0x13C80, s26;
	[sflag:s14] =	ssyncadd.s32 $0xFFFFC000  }
0x45: {  	[tilespmem:s19], [sflag:$0x2] =	stream.indirect.gather [hbm4b:s2+s17], $0x80, s28, s17, $0xb8;
	[tilespmem:$0x1E400] =	vst v63  }
0x46: {  	_ =	swait.ge [sflag:s20], $0x4000  }
0x47: {  	[sflag:s20] =	ssyncset.done $0x0  }
0x48: {  	s28 =	sadd.s32 $0x15000, s26;
	[sflag:s20] =	ssyncadd.s32 $0xFFFFC000  }
0x49: {  	[spmem:s3] =	stream.indirect.scatter.add.f32 [tilespmem:s18], [sflag:$0x3], $0x80, s28, s17, $0xb8;
	[tilespmem:$0x1E400] =	vst v63  }
0x4a: {  	_ =	swait.ge [sflag:s14], $0x4000  }
0x4b: {  	[sflag:s14] =	ssyncset.done $0x0  }
0x4c: {  	s28 =	sadd.s32 $0x13D00, s26;
	[sflag:s14] =	ssyncadd.s32 $0xFFFFC000  }
0x4d: {  	[tilespmem:s18], [sflag:$0x1] =	stream.indirect.gather [hbm4b:s2+s17], $0x80, s28, s17, $0xb8;
	[tilespmem:$0x1E400] =	vst v63  }
0x4e: {  	_ =	swait.ge [sflag:s21], $0x4000  }
0x4f: {  	[sflag:s21] =	ssyncset.done $0x0  }
0x50: {  	s29 =	sadd.s32 $0x15080, s26;
	[sflag:s21] =	ssyncadd.s32 $0xFFFFC000  }
0x51: {  	[spmem:s3] =	stream.indirect.scatter.add.f32 [tilespmem:s19], [sflag:$0x3], $0x80, s29, s17, $0xb8;
	[tilespmem:$0x1E400] =	vst v63  }
0x52: {  	_ =	swait.ge [sflag:s14], $0x4000  }
0x53: {  	[sflag:s14] =	ssyncset.done $0x0  }
0x54: {  	[sflag:s14] =	ssyncadd.s32 $0xFFFFC000  }
0x55: {  	[tilespmem:s19], [sflag:$0x2] =	stream.indirect.gather [hbm4b:s2+s17], $0x80, s22, s17, $0xb8;
	[tilespmem:$0x1E400] =	vst v63  }
0x56: {  	_ =	swait.ge [sflag:s20], $0x4000  }
0x57: {  	[sflag:s20] =	ssyncset.done $0x0  }
0x58: {  	[sflag:s20] =	ssyncadd.s32 $0xFFFFC000  }
0x59: {  	[spmem:s3] =	stream.indirect.scatter.add.f32 [tilespmem:s18], [sflag:$0x3], $0x80, s23, s17, $0xb8;
	[tilespmem:$0x1E400] =	vst v63  }
0x5a: {  	_ =	swait.ge [sflag:s14], $0x4000  }
0x5b: {  	[sflag:s14] =	ssyncset.done $0x0  }
0x5c: {  	[sflag:s14] =	ssyncadd.s32 $0xFFFFC000  }
0x5d: {  	_ =	swait.ge [sflag:s21], $0x4000  }
0x5e: {  	[sflag:s21] =	ssyncset.done $0x0  }
0x5f: {  	[sflag:s21] =	ssyncadd.s32 $0xFFFFC000  }
0x60: {  	[spmem:s3] =	stream.indirect.scatter.add.f32 [tilespmem:s19], [sflag:$0x3], $0x80, s24, s17, $0xb8;
	[tilespmem:$0x1E400] =	vst v63  }
0x61: {  	_ =	swait.ge [sflag:s14], $0x4000  }
0x62: {  	[sflag:s14] =	ssyncset.done $0x0  }
0x63: {  	s30 =	simm.s32 $0x0;
	[sflag:s14] =	ssyncadd.s32 $0xFFFFC000  }
0x64: {  	[tilespmem:s15], [sflag:$0x3] =	stream.linear.gather [hbm4b:s11+s30], $0x1400, $0x38;
	[tilespmem:$0x1E400] =	vst v63  }
0x65: {  	_ =	swait.ge [sflag:s14], $0x1400  }
0x66: {  	[sflag:s14] =	ssyncset.done $0x0  }
0x67: {  	[sflag:s14] =	ssyncadd.s32 $0xFFFFEC00  }
0x68: {  	[tilespmem:s16], [sflag:$0x3] =	stream.linear.gather [hbm4b:s12+s30], $0x1400, $0x38;
	[tilespmem:$0x1E400] =	vst v63  }
0x69: {  	_ =	swait.ge [sflag:s14], $0x1400  }
0x6a: {  	[sflag:s14] =	ssyncset.done $0x0  }
0x6b: {  	[sflag:s14] =	ssyncadd.s32 $0xFFFFEC00  }
0x6c: {  	[tilespmem:s18], [sflag:$0x1] =	stream.indirect.gather [hbm4b:s2+s17], $0x80, s15, s17, $0xb8;
	[tilespmem:$0x1E400] =	vst v63  }
0x6d: {  	s31 =	simm.s32 $0x13C80  }
0x6e: {  	[tilespmem:s19], [sflag:$0x2] =	stream.indirect.gather [hbm4b:s2+s17], $0x80, s31, s17, $0xb8;
	[tilespmem:$0x1E400] =	vst v63  }
0x6f: {  	_ =	swait.ge [sflag:s20], $0x4000  }
0x70: {  	[sflag:s20] =	ssyncset.done $0x0  }
0x71: {  	s29 =	simm.s32 $0x15000;
	[sflag:s20] =	ssyncadd.s32 $0xFFFFC000  }
0x72: {  	[spmem:s3] =	stream.indirect.scatter.add.f32 [tilespmem:s18], [sflag:$0x3], $0x80, s29, s17, $0xb8;
	[tilespmem:$0x1E400] =	vst v63  }
0x73: {  	_ =	swait.ge [sflag:s14], $0x4000  }
0x74: {  	[sflag:s14] =	ssyncset.done $0x0  }
0x75: {  	s30 =	simm.s32 $0x13D00;
	[sflag:s14] =	ssyncadd.s32 $0xFFFFC000  }
0x76: {  	[tilespmem:s18], [sflag:$0x1] =	stream.indirect.gather [hbm4b:s2+s17], $0x80, s30, s17, $0xb8;
	[tilespmem:$0x1E400] =	vst v63  }
0x77: {  	_ =	swait.ge [sflag:s21], $0x4000  }
0x78: {  	[sflag:s21] =	ssyncset.done $0x0  }
0x79: {  	s31 =	simm.s32 $0x15080;
	[sflag:s21] =	ssyncadd.s32 $0xFFFFC000  }
0x7a: {  	[spmem:s3] =	stream.indirect.scatter.add.f32 [tilespmem:s19], [sflag:$0x3], $0x80, s31, s17, $0xb8;
	[tilespmem:$0x1E400] =	vst v63  }
0x7b: {  	_ =	swait.ge [sflag:s14], $0x4000  }
0x7c: {  	s26 =	simm.s32 $0x100;
	s28 =	simm.s32 $0x800;
	[sflag:s14] =	ssyncset.done $0x0  }
.LBB2_4:
0x7d: {  	s29 =	sadd.s32 $0x13C80, s26  }
0x7e: {  	[sflag:s14] =	ssyncadd.s32 $0xFFFFC000;
	s30 =	smov.u32 s28;
	s31 =	sadd.s32 $0x400, s28  }
0x7f: {  	[tilespmem:s19], [sflag:$0x2] =	stream.indirect.gather [hbm4b:s2+s17], $0x80, s29, s17, $0xb8;
	[tilespmem:$0x1E400] =	vst v63  }
0x80: {  	p0 =	sne.s32 s28, $0x4800;
	_ =	swait.ge [sflag:s20], $0x4000  }
0x81: {  	[sflag:s20] =	ssyncset.done $0x0  }
0x82: {  	s28 =	sadd.s32 $0x15000, s26;
	[sflag:s20] =	ssyncadd.s32 $0xFFFFC000  }
0x83: {  	[spmem:s3] =	stream.indirect.scatter.add.f32 [tilespmem:s18], [sflag:$0x3], $0x80, s28, s17, $0xb8;
	[tilespmem:$0x1E400] =	vst v63  }
0x84: {  	_ =	swait.ge [sflag:s14], $0x4000  }
0x85: {  	[sflag:s14] =	ssyncset.done $0x0  }
0x86: {  	s28 =	sadd.s32 $0x13D00, s26;
	[sflag:s14] =	ssyncadd.s32 $0xFFFFC000  }
0x87: {  	[tilespmem:s18], [sflag:$0x1] =	stream.indirect.gather [hbm4b:s2+s17], $0x80, s28, s17, $0xb8;
	[tilespmem:$0x1E400] =	vst v63  }
0x88: {  	_ =	swait.ge [sflag:s21], $0x4000  }
.Ltmp1:
0x89: {  	[sflag:s21] =	ssyncset.done $0x0;
	(pc) =	sbr.rel @p0 .LBB2_4-.Ltmp1, $4  }
0x8a: {  	s26 =	sadd.s32 $0x15080, s26;
	[sflag:s21] =	ssyncadd.s32 $0xFFFFC000  }
0x8b: {  	[spmem:s3] =	stream.indirect.scatter.add.f32 [tilespmem:s19], [sflag:$0x3], $0x80, s26, s17, $0xb8;
	[tilespmem:$0x1E400] =	vst v63  }
0x8c: {  	_ =	swait.ge [sflag:s14], $0x4000  }
0x8d: {  	s28 =	smov.u32 s31;
	s26 =	sshra.s32 s30, $0x2;
	[sflag:s14] =	ssyncset.done $0x0  }
0x8e: {  	s28 =	sadd.s32 $0x13C80, s26;
	[sflag:s14] =	ssyncadd.s32 $0xFFFFC000  }
0x8f: {  	[tilespmem:s19], [sflag:$0x2] =	stream.indirect.gather [hbm4b:s2+s17], $0x80, s28, s17, $0xb8;
	[tilespmem:$0x1E400] =	vst v63  }
0x90: {  	_ =	swait.ge [sflag:s20], $0x4000  }
0x91: {  	[sflag:s20] =	ssyncset.done $0x0  }
0x92: {  	s29 =	sadd.s32 $0x15000, s26;
	[sflag:s20] =	ssyncadd.s32 $0xFFFFC000  }
0x93: {  	[spmem:s3] =	stream.indirect.scatter.add.f32 [tilespmem:s18], [sflag:$0x3], $0x80, s29, s17, $0xb8;
	[tilespmem:$0x1E400] =	vst v63  }
0x94: {  	_ =	swait.ge [sflag:s14], $0x4000  }
0x95: {  	[sflag:s14] =	ssyncset.done $0x0  }
0x96: {  	s30 =	sadd.s32 $0x13D00, s26;
	[sflag:s14] =	ssyncadd.s32 $0xFFFFC000  }
0x97: {  	[tilespmem:s18], [sflag:$0x1] =	stream.indirect.gather [hbm4b:s2+s17], $0x80, s30, s17, $0xb8;
	[tilespmem:$0x1E400] =	vst v63  }
0x98: {  	_ =	swait.ge [sflag:s21], $0x4000  }
0x99: {  	[sflag:s21] =	ssyncset.done $0x0  }
0x9a: {  	s31 =	sadd.s32 $0x15080, s26;
	[sflag:s21] =	ssyncadd.s32 $0xFFFFC000  }
0x9b: {  	[spmem:s3] =	stream.indirect.scatter.add.f32 [tilespmem:s19], [sflag:$0x3], $0x80, s31, s17, $0xb8;
	[tilespmem:$0x1E400] =	vst v63  }
0x9c: {  	_ =	swait.ge [sflag:s14], $0x4000  }
0x9d: {  	[sflag:s14] =	ssyncset.done $0x0  }
0x9e: {  	[sflag:s14] =	ssyncadd.s32 $0xFFFFC000  }
0x9f: {  	[tilespmem:s19], [sflag:$0x2] =	stream.indirect.gather [hbm4b:s2+s17], $0x80, s22, s17, $0xb8;
	[tilespmem:$0x1E400] =	vst v63  }
0xa0: {  	_ =	swait.ge [sflag:s20], $0x4000  }
0xa1: {  	[sflag:s20] =	ssyncset.done $0x0  }
0xa2: {  	[sflag:s20] =	ssyncadd.s32 $0xFFFFC000  }
0xa3: {  	[spmem:s3] =	stream.indirect.scatter.add.f32 [tilespmem:s18], [sflag:$0x3], $0x80, s23, s17, $0xb8;
	[tilespmem:$0x1E400] =	vst v63  }
0xa4: {  	_ =	swait.ge [sflag:s14], $0x4000  }
0xa5: {  	[sflag:s14] =	ssyncset.done $0x0  }
0xa6: {  	[sflag:s14] =	ssyncadd.s32 $0xFFFFC000  }
0xa7: {  	_ =	swait.ge [sflag:s21], $0x4000  }
0xa8: {  	[sflag:s21] =	ssyncset.done $0x0  }
0xa9: {  	[sflag:s21] =	ssyncadd.s32 $0xFFFFC000  }
0xaa: {  	[spmem:s3] =	stream.indirect.scatter.add.f32 [tilespmem:s19], [sflag:$0x3], $0x80, s24, s17, $0xb8;
	[tilespmem:$0x1E400] =	vst v63  }
0xab: {  	_ =	swait.ge [sflag:s14], $0x4000  }
0xac: {  	s25 =	sadd.s32 $0x1, s25;
	[sflag:s14] =	ssyncset.done $0x0  }
0xad: {  	p0 =	sne.s32 s25, s8;
	[sflag:s14] =	ssyncadd.s32 $0xFFFFC000  }
.Ltmp2:
0xae: {  	[bflag:$0x0] =	sbarrier.arrive $0xFFFF;
	(pc) =	sbr.rel @p0 .LBB2_1-.Ltmp2, $4  }
0xaf: {  	[hbm:s7], [sflag:s6] =	dma.local [spmem:s13], $0x2780  }
0xb0: {  	_ =	swait.ge [sflag:s14], $0x2780  }
0xb1: {  	[sflag:s14] =	ssyncset.done $0x0  }
0xb2: {  	[sflag:s14] =	ssyncadd.s32 $0xFFFFD880  }
0xb3: {  	_ =	sfence.sel $0x180000  }
0xb4: {  	[bflag:$0x0] =	sbarrier.arrive $0xFFFF  }
0xb5: {  	p0 =	sne.s32 s1, $0x0;
	_ =	strace $0x90000047  }
0xb6: {  	s0 =	sadd.s32 @!p0 $0x100000, s0;
	[bflag:$0x2] =	sbarrier.arrive $0xFFFF  }
0xb7: {  	[sflag:s0] =	ssyncadd.tile.s32 @!p0 $0x1;
	_ =	shalt  }
.Lfunc_end2:
_tile_overlayer_lowered:
.L_overlay_start_2:
0xb8: {  	(tag) =	ssettag $0x2  }
0xb9: {  	s0 =	rddreg [dreg:$0x0];
	s2 =	stileid.u32  }
0xba: {  	s1 =	rddreg [dreg:$0x1];
	p0 =	sne.s32 s2, $0x0  }
0xbb: {  	s3 =	rddreg [dreg:$0x2];
	[bflag:$0x3] =	sbarrier.arrive $0xFFFF;
	s2 =	simm.s32 @!p0 $0x1C03  }
0xbc: {  	[timem:s3], [sflag:s2] =	dma.local @!p0 [hbm:s0], s1  }
0xbd: {  	s0 =	simm.s32 @!p0 $0x3  }
0xbe: {  	_ =	swait.ge @!p0 [sflag:s0], s1  }
0xbf: {  	s1 =	ssub.s32 @!p0 $0x0, s1;
	[sflag:s0] =	ssyncset.done @!p0 $0x0  }
0xc0: {  	[sflag:s0] =	ssyncadd.s32 @!p0 s1  }
0xc1: {  	[bflag:$0x3] =	sbarrier.arrive $0xFFFF  }
0xc2: {  	_ =	shalt  }

</sc_bundles>
